<compile_context>
chip_gen: v7x
topology: tpu7x:2x2x1
jax: 0.10.2.dev20260603
libtpu: 0.0.44.dev20260713+nightly
codegen_flags: <defaults>
</compile_context>

<pallas_src>
import functools

import jax
import jax.numpy as jnp
from jax import lax
from jax.experimental import pallas as pl
from jax.experimental.pallas import tpu as pltpu
from jax.experimental.pallas import tpu_sc as plsc

N = 10000
E = 320000
D = 128
EPS = 1e-5

NC = 2
NT = 16
C = 128
E_PAD = 327680
CH = E_PAD // (NC * NT) // C
R = 10240
RW = R // 128
DUMP = N
BR = 1024
GB = BR // 128

_mesh = plsc.VectorSubcoreMesh(core_axis_name="c", subcore_axis_name="s")


@functools.partial(
    pl.kernel,
    out_type=jax.ShapeDtypeStruct((NC * NT * R,), jnp.float32),
    mesh=_mesh,
    compiler_params=pltpu.CompilerParams(needs_layout_passes=False),
    scratch_types=[
        pltpu.VMEM((CH, C), jnp.int32),
        pltpu.VMEM((R,), jnp.float32),
    ],
)
def _deg_kernel(dst_hbm, zeros_hbm, deg_hbm, dst_v, hist):
    c = lax.axis_index("c")
    s = lax.axis_index("s")
    t = c * NT + s
    pltpu.sync_copy(dst_hbm.at[t], dst_v)
    pltpu.sync_copy(zeros_hbm, hist)
    ones = jnp.ones((16,), jnp.float32)

    def chunk(j, carry):
        def vec(k, carry2):
            idx = dst_v[j, pl.ds(k * 16, 16)]
            plsc.addupdate_scatter(hist, [idx], ones)
            return carry2
        return lax.fori_loop(0, C // 16, vec, carry)

    lax.fori_loop(0, CH, chunk, 0)
    pltpu.sync_copy(hist, deg_hbm.at[pl.ds(pl.multiple_of(t * R, 128), R)])


NSLOT = E_PAD // (8 * C)
S0 = 19
S1 = 1


@functools.partial(
    pl.kernel,
    out_type=jax.ShapeDtypeStruct((NC, R, D), jnp.float32),
    mesh=_mesh,
    scratch_types=[
        pltpu.VMEM((2, 8, C), jnp.int32),
        pltpu.VMEM((2, 8, C), jnp.int32),
        pltpu.VMEM((C, D), jnp.float32),
        pltpu.VMEM((C, D), jnp.float32),
        pltpu.VMEM_SHARED((R, D), jnp.float32),
        pltpu.SemaphoreType.DMA,
        pltpu.SemaphoreType.DMA,
        pltpu.SemaphoreType.DMA,
        pltpu.SemaphoreType.DMA,
        pltpu.SemaphoreType.DMA,
        pltpu.SemaphoreType.DMA,
    ],
)
def _agg_kernel(src_hbm, dst_hbm, x2_hbm, zeros_hbm, agg_hbm,
                src_ring, dst_ring, g0, g1, acc_sh,
                sg0, sg1, ss0, ss1, sd0, sd1):
    c = lax.axis_index("c")
    s = lax.axis_index("s")
    rt = R // NT
    ro = pl.multiple_of(s * rt, 128)
    base = jnp.where(c == 0, s * S0, NT * S0 + s * S1)
    nsl = jnp.where(c == 0, S0, S1)
    pltpu.sync_copy(zeros_hbm.at[pl.ds(ro, rt)], acc_sh.at[pl.ds(ro, rt)])

    gbufs = (g0, g1)
    gsems = (sg0, sg1)
    ssems = (ss0, ss1)
    dsems = (sd0, sd1)

    def load_slot(q, b):
        pltpu.async_copy(src_hbm.at[q], src_ring.at[b], ssems[b])
        pltpu.async_copy(dst_hbm.at[q], dst_ring.at[b], dsems[b])

    def wait_slot(b):
        pltpu.make_async_copy(src_hbm.at[0], src_ring.at[b], ssems[b]).wait()
        pltpu.make_async_copy(dst_hbm.at[0], dst_ring.at[b], dsems[b]).wait()

    load_slot(base, 0)

    @pl.when(nsl > 1)
    def _():
        load_slot(base + 1, 1)
    plsc.subcore_barrier()

    def outer(q, carry):
        b2 = q % 2

        @pl.when(b2 == 0)
        def _():
            wait_slot(0)

        @pl.when(b2 == 1)
        def _():
            wait_slot(1)

        for b in range(2):
            pltpu.async_copy(x2_hbm.at[src_ring.at[b2, b]], gbufs[b], gsems[b])

        def inner(k, carry2):
            for b in range(2):
                kk = 2 * k + b
                pltpu.make_async_copy(x2_hbm.at[pl.ds(0, C)],
                                      gbufs[b], gsems[b]).wait()
                pltpu.sync_copy(gbufs[b], acc_sh.at[dst_ring.at[b2, kk]],
                                add=True)

                @pl.when(kk + 2 < 8)
                def _():
                    kn = jnp.minimum(kk + 2, 7)
                    pltpu.async_copy(x2_hbm.at[src_ring.at[b2, kn]],
                                     gbufs[b], gsems[b])
            return carry2

        lax.fori_loop(0, 4, inner, 0)

        @pl.when(q + 2 < nsl)
        def _():
            qn = base + jnp.minimum(q + 2, nsl - 1)

            @pl.when(b2 == 0)
            def _():
                load_slot(qn, 0)

            @pl.when(b2 == 1)
            def _():
                load_slot(qn, 1)
        return carry

    lax.fori_loop(0, nsl, outer, 0)

    plsc.subcore_barrier()
    pltpu.sync_copy(acc_sh.at[pl.ds(ro, rt)],
                    agg_hbm.at[c, pl.ds(ro, rt)])


def _dis_block(deg_ref):
    return lax.rsqrt(1.0 + jnp.sum(deg_ref[...], axis=0))


def _tc1_body(x_ref, deg_ref, o_ref):
    dis = _dis_block(deg_ref)
    for g in range(GB):
        col = jnp.transpose(dis[g:g + 1, :])
        o_ref[pl.ds(g * 128, 128), :] = x_ref[pl.ds(g * 128, 128), :] * col


def _tc2a_body(agg_ref, x_ref, deg_ref, w_ref, b_ref, y_ref, st_ref):
    i = pl.program_id(0)
    dis = _dis_block(deg_ref)
    rows = []
    for g in range(GB):
        col = jnp.transpose(dis[g:g + 1, :])
        sl = pl.ds(g * 128, 128)
        rows.append(col * agg_ref[0, sl, :] + col * agg_ref[1, sl, :]
                    + (col * col) * x_ref[sl, :])
    z = jnp.concatenate(rows, axis=0)
    y = jnp.dot(z, w_ref[...], preferred_element_type=jnp.float32) + b_ref[...]
    y_ref[...] = y

    @pl.when(i == 0)
    def _():
        st_ref[...] = jnp.zeros_like(st_ref)

    rowid = lax.broadcasted_iota(jnp.int32, (BR, 1), 0)
    msk = rowid < (N - i * BR)
    ym = jnp.where(msk, y, 0.0)
    st_ref[0:1, :] += jnp.sum(ym, axis=0, keepdims=True)
    st_ref[1:2, :] += jnp.sum(ym * ym, axis=0, keepdims=True)


def _tc2b_body(y_ref, st_ref, g_ref, bt_ref, o_ref):
    mean = st_ref[0:1, :] * (1.0 / N)
    var = st_ref[1:2, :] * (1.0 / N) - mean * mean
    inv = lax.rsqrt(var + EPS) * g_ref[...]
    o_ref[...] = jnp.maximum((y_ref[...] - mean) * inv + bt_ref[...], 0.0)


def kernel(x, edge_index, W, b, gamma, beta):
    src = edge_index[0]
    dst = edge_index[1]
    pad = E_PAD - E
    src_p = jnp.concatenate([src, jnp.zeros((pad,), jnp.int32)])
    dst_p = jnp.concatenate([dst, jnp.full((pad,), DUMP, jnp.int32)])
    src_sl = src_p.reshape(NSLOT, 8, C)
    dst_sl = dst_p.reshape(NSLOT, 8, C)

    x_pad = jnp.concatenate([x, jnp.zeros((R - N, D), jnp.float32)])
    zeros_r = jnp.zeros((R,), jnp.float32)
    zeros_rd = jnp.zeros((R, D), jnp.float32)

    degp = _deg_kernel(dst_p.reshape(NC * NT, CH, C), zeros_r)
    degp = degp.reshape(NC * NT, RW, 128)

    nb = R // BR
    x2 = pl.pallas_call(
        _tc1_body,
        grid=(nb,),
        in_specs=[
            pl.BlockSpec((BR, D), lambda i: (i, 0)),
            pl.BlockSpec((NC * NT, GB, 128), lambda i: (0, i, 0)),
        ],
        out_specs=pl.BlockSpec((BR, D), lambda i: (i, 0)),
        out_shape=jax.ShapeDtypeStruct((R, D), jnp.float32),
    )(x_pad, degp)

    agg = _agg_kernel(src_sl, dst_sl, x2, zeros_rd)

    y, st = pl.pallas_call(
        _tc2a_body,
        grid=(nb,),
        in_specs=[
            pl.BlockSpec((NC, BR, D), lambda i: (0, i, 0)),
            pl.BlockSpec((BR, D), lambda i: (i, 0)),
            pl.BlockSpec((NC * NT, GB, 128), lambda i: (0, i, 0)),
            pl.BlockSpec((D, D), lambda i: (0, 0)),
            pl.BlockSpec((1, D), lambda i: (0, 0)),
        ],
        out_specs=[
            pl.BlockSpec((BR, D), lambda i: (i, 0)),
            pl.BlockSpec((8, D), lambda i: (0, 0)),
        ],
        out_shape=[
            jax.ShapeDtypeStruct((R, D), jnp.float32),
            jax.ShapeDtypeStruct((8, D), jnp.float32),
        ],
    )(agg, x_pad, degp, W, b.reshape(1, D))

    out = pl.pallas_call(
        _tc2b_body,
        grid=(nb,),
        in_specs=[
            pl.BlockSpec((BR, D), lambda i: (i, 0)),
            pl.BlockSpec((8, D), lambda i: (0, 0)),
            pl.BlockSpec((1, D), lambda i: (0, 0)),
            pl.BlockSpec((1, D), lambda i: (0, 0)),
        ],
        out_specs=pl.BlockSpec((BR, D), lambda i: (i, 0)),
        out_shape=jax.ShapeDtypeStruct((R, D), jnp.float32),
    )(y, st, gamma.reshape(1, D), beta.reshape(1, D))

    return out[:N]

# --- scband reference (transcript-rebuilt; emitter-appended) ---
"""Pipeline reference for scband-gcnlayer-31903017074707 (READ-ONLY COPY).

The authoritative reference and input builder live on the scoring server;
editing this copy changes nothing except your own understanding.
"""

import jax, jax.numpy as jnp
import numpy as np

N = 10000
E = 320000
D_IN = 128
D_OUT = 128
EPS = 1e-5


def setup_inputs(seed: int = 0) -> dict:
    key = jax.random.key(seed)
    k1, k2, k3, k4 = jax.random.split(key, 4)
    x = jax.random.normal(k1, (N, D_IN), dtype=jnp.float32)
    edge_index = jax.random.randint(k2, (2, E), 0, N, dtype=jnp.int32)
    # GCNConv linear weight (glorot-ish) and bias
    W = jax.random.normal(k3, (D_IN, D_OUT), dtype=jnp.float32) * (1.0 / np.sqrt(D_IN))
    b = jnp.zeros((D_OUT,), dtype=jnp.float32)
    # BatchNorm1d affine params
    gamma = jnp.ones((D_OUT,), dtype=jnp.float32)
    beta = jnp.zeros((D_OUT,), dtype=jnp.float32)
    return {"x": x, "edge_index": edge_index, "W": W, "b": b, "gamma": gamma, "beta": beta}


def reference(x, edge_index, W, b, gamma, beta):
    # --- GCNConv: D^{-1/2} (A + I) D^{-1/2} X W + b ---
    src = edge_index[0]
    dst = edge_index[1]
    loop = jnp.arange(N, dtype=src.dtype)
    src = jnp.concatenate([src, loop])
    dst = jnp.concatenate([dst, loop])
    ones = jnp.ones(src.shape[0], dtype=jnp.float32)
    deg = jnp.zeros((N,), dtype=jnp.float32).at[dst].add(ones)
    deg_inv_sqrt = jnp.where(deg > 0, jax.lax.rsqrt(jnp.maximum(deg, 1e-12)), 0.0)
    norm = deg_inv_sqrt[src] * deg_inv_sqrt[dst]
    h = x @ W
    msg = h[src] * norm[:, None]
    out = jax.ops.segment_sum(msg, dst, num_segments=N) + b
    # --- BatchNorm1d (training-mode batch statistics) ---
    mean = jnp.mean(out, axis=0)
    var = jnp.mean((out - mean) ** 2, axis=0)
    out = (out - mean) * jax.lax.rsqrt(var + EPS) * gamma + beta
    # --- ReLU (dropout p=0.0 is identity) ---
    return jnp.maximum(out, 0.0)

if __name__ == "__main__":
    import jax
    _d = setup_inputs()
    print(jax.jit(kernel)(*tuple(_d.values())))

</pallas_src>

<mosaic_0001>
#map = affine_map<(d0, d1) -> (0, 0, 0)>
#map1 = affine_map<(d0, d1) -> (0)>
module attributes {stable_mosaic.version = 14 : i64} {
  func.func @_deg_kernel(%arg0: i32, %arg1: i32, %arg2: memref<32x80x128xi32, #tpu.memory_space<hbm>>, %arg3: memref<10240xf32, #tpu.memory_space<hbm>>, %arg4: memref<327680xf32, #tpu.memory_space<hbm>>, %arg5: memref<80x128xi32, #tpu.memory_space<vmem>>, %arg6: memref<10240xf32, #tpu.memory_space<vmem>>) attributes {dimension_semantics = [#tpu.dimension_semantics<core_parallel>, #tpu.dimension_semantics<subcore_parallel>], iteration_bounds = array<i64: 2, 16>, scalar_prefetch = 0 : i64, scratch_operands = 2 : i64, tpu.core_type = #tpu.core_type<sc_vector_subcore>, window_params = [{transform_indices = #map}, {transform_indices = #map1}, {transform_indices = #map1}]} {
    %mul3A = arith.constant 16 : i32
    %mul3A_0 = arith.muli %arg0, %mul3A : i32
    %add3A = arith.addi %mul3A_0, %arg1 : i32
    "tpu.region"() ({
      %run_scoped3A = tpu.sem_alloc : memref<!tpu.dma_semaphore, #tpu.memory_space<semaphore_mem>>
      %dma_start3A = arith.constant 0 : i32
      %dma_start3A_9 = arith.constant 0 : i32
      %dma_start3A_10 = tpu.memref_slice %arg2[%add3A, %dma_start3A, %dma_start3A_9] : memref<32x80x128xi32, #tpu.memory_space<hbm>> -> memref<1x80x128xi32, #tpu.memory_space<hbm>>
      %dma_start3A_11 = tpu.memref_squeeze %dma_start3A_10 : memref<1x80x128xi32, #tpu.memory_space<hbm>> -> memref<80x128xi32, #tpu.memory_space<hbm>>
      %dma_start3A_12 = arith.constant 0 : i32
      %dma_start3A_13 = arith.constant 0 : i32
      %dma_start3A_14 = tpu.memref_slice %arg2[%add3A, %dma_start3A_12, %dma_start3A_13] : memref<32x80x128xi32, #tpu.memory_space<hbm>> -> memref<1x80x128xi32, #tpu.memory_space<hbm>>
      %dma_start3A_15 = tpu.memref_squeeze %dma_start3A_14 : memref<1x80x128xi32, #tpu.memory_space<hbm>> -> memref<80x128xi32, #tpu.memory_space<hbm>>
      tpu.enqueue_dma source(%dma_start3A_15 : memref<80x128xi32, #tpu.memory_space<hbm>>) target(%arg5 : memref<80x128xi32, #tpu.memory_space<vmem>>) target_semaphore(%run_scoped3A : memref<!tpu.dma_semaphore, #tpu.memory_space<semaphore_mem>>)
      %dma_wait3A = arith.constant 0 : i32
      %dma_wait3A_16 = arith.constant 0 : i32
      %dma_wait3A_17 = tpu.memref_slice %arg2[%add3A, %dma_wait3A, %dma_wait3A_16] : memref<32x80x128xi32, #tpu.memory_space<hbm>> -> memref<1x80x128xi32, #tpu.memory_space<hbm>>
      %dma_wait3A_18 = tpu.memref_squeeze %dma_wait3A_17 : memref<1x80x128xi32, #tpu.memory_space<hbm>> -> memref<80x128xi32, #tpu.memory_space<hbm>>
      %dma_wait3A_19 = arith.constant 0 : i32
      %dma_wait3A_20 = arith.constant 0 : i32
      %dma_wait3A_21 = tpu.memref_slice %arg2[%add3A, %dma_wait3A_19, %dma_wait3A_20] : memref<32x80x128xi32, #tpu.memory_space<hbm>> -> memref<1x80x128xi32, #tpu.memory_space<hbm>>
      %dma_wait3A_22 = tpu.memref_squeeze %dma_wait3A_21 : memref<1x80x128xi32, #tpu.memory_space<hbm>> -> memref<80x128xi32, #tpu.memory_space<hbm>>
      tpu.wait_dma2 semaphore(%run_scoped3A : memref<!tpu.dma_semaphore, #tpu.memory_space<semaphore_mem>>) src(%dma_wait3A_22 : memref<80x128xi32, #tpu.memory_space<hbm>>) dst(%arg5 : memref<80x128xi32, #tpu.memory_space<vmem>>)
      tpu.yield
    }) : () -> ()
    "tpu.region"() ({
      %run_scoped3A = tpu.sem_alloc : memref<!tpu.dma_semaphore, #tpu.memory_space<semaphore_mem>>
      tpu.enqueue_dma source(%arg3 : memref<10240xf32, #tpu.memory_space<hbm>>) target(%arg6 : memref<10240xf32, #tpu.memory_space<vmem>>) target_semaphore(%run_scoped3A : memref<!tpu.dma_semaphore, #tpu.memory_space<semaphore_mem>>)
      tpu.wait_dma2 semaphore(%run_scoped3A : memref<!tpu.dma_semaphore, #tpu.memory_space<semaphore_mem>>) src(%arg3 : memref<10240xf32, #tpu.memory_space<hbm>>) dst(%arg6 : memref<10240xf32, #tpu.memory_space<vmem>>)
      tpu.yield
    }) : () -> ()
    %broadcast_in_dim3A = arith.constant 1.000000e+00 : f32
    %broadcast_in_dim3A_1 = vector.broadcast %broadcast_in_dim3A : f32 to vector<16xf32>
    %scan3A = arith.constant 0 : i32
    %scan3A_2 = arith.constant 0 : i32
    %scan3A_3 = arith.constant 80 : i32
    %scan3A_4 = arith.addi %scan3A_2, %scan3A_3 : i32
    %scan3A_5 = arith.constant 1 : i32
    scf.for %scan3A_9 = %scan3A_2 to %scan3A_4 step %scan3A_5  : i32 {
      %scan3A_10 = arith.constant 0 : i32
      %scan3A_11 = arith.constant 8 : i32
      %scan3A_12 = arith.addi %scan3A_10, %scan3A_11 : i32
      %scan3A_13 = arith.constant 1 : i32
      scf.for %scan3A_15 = %scan3A_10 to %scan3A_12 step %scan3A_13  : i32 {
        %mul3A_16 = arith.constant 16 : i32
        %mul3A_17 = arith.muli %scan3A_15, %mul3A_16 : i32
        %get3A = arith.index_cast %scan3A_9 : i32 to index
        %get3A_18 = arith.index_cast %mul3A_17 : i32 to index
        %get3A_19 = tpu.vector_load %arg5[%get3A, %get3A_18] {strides = array<i32>} : memref<80x128xi32, #tpu.memory_space<vmem>>, vector<16xi32>,
        tpu.vector_store_idx %arg6[%get3A_19], %broadcast_in_dim3A_1 {add = true} : memref<10240xf32, #tpu.memory_space<vmem>>[vector<16xi32>], vector<16xf32>,
      }
      %scan3A_14 = arith.constant 8 : i32
    }
    %scan3A_6 = arith.constant 80 : i32
    %mul3A_7 = arith.constant 10240 : i32
    %mul3A_8 = arith.muli %add3A, %mul3A_7 : i32
    %multiple_of3A = tpu.assume_multiple %mul3A_8, 128 : i32
    "tpu.region"() ({
      %run_scoped3A = tpu.sem_alloc : memref<!tpu.dma_semaphore, #tpu.memory_space<semaphore_mem>>
      %dma_start3A = tpu.memref_slice %arg4[%multiple_of3A] : memref<327680xf32, #tpu.memory_space<hbm>> -> memref<10240xf32, #tpu.memory_space<hbm>>
      %dma_start3A_9 = tpu.memref_slice %arg4[%multiple_of3A] : memref<327680xf32, #tpu.memory_space<hbm>> -> memref<10240xf32, #tpu.memory_space<hbm>>
      tpu.enqueue_dma source(%arg6 : memref<10240xf32, #tpu.memory_space<vmem>>) target(%dma_start3A_9 : memref<10240xf32, #tpu.memory_space<hbm>>) target_semaphore(%run_scoped3A : memref<!tpu.dma_semaphore, #tpu.memory_space<semaphore_mem>>)
      %dma_wait3A = tpu.memref_slice %arg4[%multiple_of3A] : memref<327680xf32, #tpu.memory_space<hbm>> -> memref<10240xf32, #tpu.memory_space<hbm>>
      %dma_wait3A_10 = tpu.memref_slice %arg4[%multiple_of3A] : memref<327680xf32, #tpu.memory_space<hbm>> -> memref<10240xf32, #tpu.memory_space<hbm>>
      tpu.wait_dma2 semaphore(%run_scoped3A : memref<!tpu.dma_semaphore, #tpu.memory_space<semaphore_mem>>) src(%arg6 : memref<10240xf32, #tpu.memory_space<vmem>>) dst(%dma_wait3A_10 : memref<10240xf32, #tpu.memory_space<hbm>>)
      tpu.yield
    }) : () -> ()
    return
  }
}

#map = affine_map<(d0, d1) -> (0, 0, 0)>
#map1 = affine_map<(d0, d1) -> (0, 0)>
module attributes {stable_mosaic.version = 14 : i64} {
  func.func @_agg_kernel(%arg0: i32, %arg1: i32, %arg2: memref<320x8x128xi32, #tpu.memory_space<hbm>>, %arg3: memref<320x8x128xi32, #tpu.memory_space<hbm>>, %arg4: memref<10240x128xf32, #tpu.memory_space<hbm>>, %arg5: memref<10240x128xf32, #tpu.memory_space<hbm>>, %arg6: memref<2x10240x128xf32, #tpu.memory_space<hbm>>, %arg7: memref<2x8x128xi32, #tpu.memory_space<vmem>>, %arg8: memref<2x8x128xi32, #tpu.memory_space<vmem>>, %arg9: memref<128x128xf32, #tpu.memory_space<vmem>>, %arg10: memref<128x128xf32, #tpu.memory_space<vmem>>, %arg11: memref<10240x128xf32, #tpu.memory_space<vmem_shared>>, %arg12: memref<!tpu.dma_semaphore, #tpu.memory_space<semaphore_mem>>, %arg13: memref<!tpu.dma_semaphore, #tpu.memory_space<semaphore_mem>>, %arg14: memref<!tpu.dma_semaphore, #tpu.memory_space<semaphore_mem>>, %arg15: memref<!tpu.dma_semaphore, #tpu.memory_space<semaphore_mem>>, %arg16: memref<!tpu.dma_semaphore, #tpu.memory_space<semaphore_mem>>, %arg17: memref<!tpu.dma_semaphore, #tpu.memory_space<semaphore_mem>>) attributes {dimension_semantics = [#tpu.dimension_semantics<core_parallel>, #tpu.dimension_semantics<subcore_parallel>], iteration_bounds = array<i64: 2, 16>, scalar_prefetch = 0 : i64, scratch_operands = 11 : i64, tpu.core_type = #tpu.core_type<sc_vector_subcore>, window_params = [{transform_indices = #map}, {transform_indices = #map}, {transform_indices = #map1}, {transform_indices = #map1}, {transform_indices = #map}]} {
    %mul3A = arith.constant 640 : i32
    %mul3A_0 = arith.muli %arg1, %mul3A : i32
    %multiple_of3A = tpu.assume_multiple %mul3A_0, 128 : i32
    %eq3A = arith.constant 0 : i32
    %eq3A_1 = arith.cmpi eq, %arg0, %eq3A : i32
    %mul3A_2 = arith.constant 19 : i32
    %mul3A_3 = arith.muli %arg1, %mul3A_2 : i32
    %mul3A_4 = arith.constant 1 : i32
    %mul3A_5 = arith.muli %arg1, %mul3A_4 : i32
    %add3A = arith.constant 304 : i32
    %add3A_6 = arith.addi %add3A, %mul3A_5 : i32
    %select_n3A = arith.select %eq3A_1, %mul3A_3, %add3A_6 : i32
    %eq3A_7 = arith.constant 0 : i32
    %eq3A_8 = arith.cmpi eq, %arg0, %eq3A_7 : i32
    %jit3A = arith.constant 19 : i32
    %jit3A_9 = arith.constant 1 : i32
    %select_n3A_10 = arith.select %eq3A_8, %jit3A, %jit3A_9 : i32
    "tpu.region"() ({
      %run_scoped3A = tpu.sem_alloc : memref<!tpu.dma_semaphore, #tpu.memory_space<semaphore_mem>>
      %dma_start3A_56 = arith.constant 0 : i32
      %dma_start3A_57 = tpu.memref_slice %arg11[%multiple_of3A, %dma_start3A_56] : memref<10240x128xf32, #tpu.memory_space<vmem_shared>> -> memref<640x128xf32, #tpu.memory_space<vmem_shared>>
      %dma_start3A_58 = arith.constant 0 : i32
      %dma_start3A_59 = tpu.memref_slice %arg5[%multiple_of3A, %dma_start3A_58] : memref<10240x128xf32, #tpu.memory_space<hbm>> -> memref<640x128xf32, #tpu.memory_space<hbm>>
      tpu.enqueue_dma source(%dma_start3A_59 : memref<640x128xf32, #tpu.memory_space<hbm>>) target(%dma_start3A_57 : memref<640x128xf32, #tpu.memory_space<vmem_shared>>) target_semaphore(%run_scoped3A : memref<!tpu.dma_semaphore, #tpu.memory_space<semaphore_mem>>)
      %dma_wait3A = arith.constant 0 : i32
      %dma_wait3A_60 = tpu.memref_slice %arg11[%multiple_of3A, %dma_wait3A] : memref<10240x128xf32, #tpu.memory_space<vmem_shared>> -> memref<640x128xf32, #tpu.memory_space<vmem_shared>>
      %dma_wait3A_61 = arith.constant 0 : i32
      %dma_wait3A_62 = tpu.memref_slice %arg5[%multiple_of3A, %dma_wait3A_61] : memref<10240x128xf32, #tpu.memory_space<hbm>> -> memref<640x128xf32, #tpu.memory_space<hbm>>
      tpu.wait_dma2 semaphore(%run_scoped3A : memref<!tpu.dma_semaphore, #tpu.memory_space<semaphore_mem>>) src(%dma_wait3A_62 : memref<640x128xf32, #tpu.memory_space<hbm>>) dst(%dma_wait3A_60 : memref<640x128xf32, #tpu.memory_space<vmem_shared>>)
      tpu.yield
    }) : () -> ()
    %dma_start3A = arith.constant 0 : i32
    %dma_start3A_11 = arith.constant 0 : i32
    %dma_start3A_12 = arith.constant 0 : i32
    %dma_start3A_13 = tpu.memref_slice %arg7[%dma_start3A, %dma_start3A_11, %dma_start3A_12] : memref<2x8x128xi32, #tpu.memory_space<vmem>> -> memref<1x8x128xi32, #tpu.memory_space<vmem>>
    %dma_start3A_14 = tpu.memref_squeeze %dma_start3A_13 : memref<1x8x128xi32, #tpu.memory_space<vmem>> -> memref<8x128xi32, #tpu.memory_space<vmem>>
    %dma_start3A_15 = arith.constant 0 : i32
    %dma_start3A_16 = arith.constant 0 : i32
    %dma_start3A_17 = tpu.memref_slice %arg2[%select_n3A, %dma_start3A_15, %dma_start3A_16] : memref<320x8x128xi32, #tpu.memory_space<hbm>> -> memref<1x8x128xi32, #tpu.memory_space<hbm>>
    %dma_start3A_18 = tpu.memref_squeeze %dma_start3A_17 : memref<1x8x128xi32, #tpu.memory_space<hbm>> -> memref<8x128xi32, #tpu.memory_space<hbm>>
    %dma_start3A_19 = arith.constant 0 : i32
    %dma_start3A_20 = arith.constant 0 : i32
    %dma_start3A_21 = tpu.memref_slice %arg7[%dma_start3A, %dma_start3A_19, %dma_start3A_20] : memref<2x8x128xi32, #tpu.memory_space<vmem>> -> memref<1x8x128xi32, #tpu.memory_space<vmem>>
    %dma_start3A_22 = tpu.memref_squeeze %dma_start3A_21 : memref<1x8x128xi32, #tpu.memory_space<vmem>> -> memref<8x128xi32, #tpu.memory_space<vmem>>
    %dma_start3A_23 = arith.constant 0 : i32
    %dma_start3A_24 = arith.constant 0 : i32
    %dma_start3A_25 = tpu.memref_slice %arg2[%select_n3A, %dma_start3A_23, %dma_start3A_24] : memref<320x8x128xi32, #tpu.memory_space<hbm>> -> memref<1x8x128xi32, #tpu.memory_space<hbm>>
    %dma_start3A_26 = tpu.memref_squeeze %dma_start3A_25 : memref<1x8x128xi32, #tpu.memory_space<hbm>> -> memref<8x128xi32, #tpu.memory_space<hbm>>
    tpu.enqueue_dma source(%dma_start3A_26 : memref<8x128xi32, #tpu.memory_space<hbm>>) target(%dma_start3A_22 : memref<8x128xi32, #tpu.memory_space<vmem>>) target_semaphore(%arg14 : memref<!tpu.dma_semaphore, #tpu.memory_space<semaphore_mem>>)
    %dma_start3A_27 = arith.constant 0 : i32
    %dma_start3A_28 = arith.constant 0 : i32
    %dma_start3A_29 = arith.constant 0 : i32
    %dma_start3A_30 = tpu.memref_slice %arg8[%dma_start3A_27, %dma_start3A_28, %dma_start3A_29] : memref<2x8x128xi32, #tpu.memory_space<vmem>> -> memref<1x8x128xi32, #tpu.memory_space<vmem>>
    %dma_start3A_31 = tpu.memref_squeeze %dma_start3A_30 : memref<1x8x128xi32, #tpu.memory_space<vmem>> -> memref<8x128xi32, #tpu.memory_space<vmem>>
    %dma_start3A_32 = arith.constant 0 : i32
    %dma_start3A_33 = arith.constant 0 : i32
    %dma_start3A_34 = tpu.memref_slice %arg3[%select_n3A, %dma_start3A_32, %dma_start3A_33] : memref<320x8x128xi32, #tpu.memory_space<hbm>> -> memref<1x8x128xi32, #tpu.memory_space<hbm>>
    %dma_start3A_35 = tpu.memref_squeeze %dma_start3A_34 : memref<1x8x128xi32, #tpu.memory_space<hbm>> -> memref<8x128xi32, #tpu.memory_space<hbm>>
    %dma_start3A_36 = arith.constant 0 : i32
    %dma_start3A_37 = arith.constant 0 : i32
    %dma_start3A_38 = tpu.memref_slice %arg8[%dma_start3A_27, %dma_start3A_36, %dma_start3A_37] : memref<2x8x128xi32, #tpu.memory_space<vmem>> -> memref<1x8x128xi32, #tpu.memory_space<vmem>>
    %dma_start3A_39 = tpu.memref_squeeze %dma_start3A_38 : memref<1x8x128xi32, #tpu.memory_space<vmem>> -> memref<8x128xi32, #tpu.memory_space<vmem>>
    %dma_start3A_40 = arith.constant 0 : i32
    %dma_start3A_41 = arith.constant 0 : i32
    %dma_start3A_42 = tpu.memref_slice %arg3[%select_n3A, %dma_start3A_40, %dma_start3A_41] : memref<320x8x128xi32, #tpu.memory_space<hbm>> -> memref<1x8x128xi32, #tpu.memory_space<hbm>>
    %dma_start3A_43 = tpu.memref_squeeze %dma_start3A_42 : memref<1x8x128xi32, #tpu.memory_space<hbm>> -> memref<8x128xi32, #tpu.memory_space<hbm>>
    tpu.enqueue_dma source(%dma_start3A_43 : memref<8x128xi32, #tpu.memory_space<hbm>>) target(%dma_start3A_39 : memref<8x128xi32, #tpu.memory_space<vmem>>) target_semaphore(%arg16 : memref<!tpu.dma_semaphore, #tpu.memory_space<semaphore_mem>>)
    %gt3A = arith.constant 1 : i32
    %gt3A_44 = arith.cmpi sgt, %select_n3A_10, %gt3A : i32
    %convert_element_type3A = arith.extui %gt3A_44 : i1 to i32
    %cond3A = arith.constant 0 : i32
    %cond3A_45 = arith.cmpi ne, %convert_element_type3A, %cond3A : i32
    scf.if %cond3A_45 {
      %add3A_56 = arith.constant 1 : i32
      %add3A_57 = arith.addi %select_n3A, %add3A_56 : i32
      %dma_start3A_58 = arith.constant 1 : i32
      %dma_start3A_59 = arith.constant 0 : i32
      %dma_start3A_60 = arith.constant 0 : i32
      %dma_start3A_61 = tpu.memref_slice %arg7[%dma_start3A_58, %dma_start3A_59, %dma_start3A_60] : memref<2x8x128xi32, #tpu.memory_space<vmem>> -> memref<1x8x128xi32, #tpu.memory_space<vmem>>
      %dma_start3A_62 = tpu.memref_squeeze %dma_start3A_61 : memref<1x8x128xi32, #tpu.memory_space<vmem>> -> memref<8x128xi32, #tpu.memory_space<vmem>>
      %dma_start3A_63 = arith.constant 0 : i32
      %dma_start3A_64 = arith.constant 0 : i32
      %dma_start3A_65 = tpu.memref_slice %arg2[%add3A_57, %dma_start3A_63, %dma_start3A_64] : memref<320x8x128xi32, #tpu.memory_space<hbm>> -> memref<1x8x128xi32, #tpu.memory_space<hbm>>
      %dma_start3A_66 = tpu.memref_squeeze %dma_start3A_65 : memref<1x8x128xi32, #tpu.memory_space<hbm>> -> memref<8x128xi32, #tpu.memory_space<hbm>>
      %dma_start3A_67 = arith.constant 0 : i32
      %dma_start3A_68 = arith.constant 0 : i32
      %dma_start3A_69 = tpu.memref_slice %arg7[%dma_start3A_58, %dma_start3A_67, %dma_start3A_68] : memref<2x8x128xi32, #tpu.memory_space<vmem>> -> memref<1x8x128xi32, #tpu.memory_space<vmem>>
      %dma_start3A_70 = tpu.memref_squeeze %dma_start3A_69 : memref<1x8x128xi32, #tpu.memory_space<vmem>> -> memref<8x128xi32, #tpu.memory_space<vmem>>
      %dma_start3A_71 = arith.constant 0 : i32
      %dma_start3A_72 = arith.constant 0 : i32
      %dma_start3A_73 = tpu.memref_slice %arg2[%add3A_57, %dma_start3A_71, %dma_start3A_72] : memref<320x8x128xi32, #tpu.memory_space<hbm>> -> memref<1x8x128xi32, #tpu.memory_space<hbm>>
      %dma_start3A_74 = tpu.memref_squeeze %dma_start3A_73 : memref<1x8x128xi32, #tpu.memory_space<hbm>> -> memref<8x128xi32, #tpu.memory_space<hbm>>
      tpu.enqueue_dma source(%dma_start3A_74 : memref<8x128xi32, #tpu.memory_space<hbm>>) target(%dma_start3A_70 : memref<8x128xi32, #tpu.memory_space<vmem>>) target_semaphore(%arg15 : memref<!tpu.dma_semaphore, #tpu.memory_space<semaphore_mem>>)
      %dma_start3A_75 = arith.constant 1 : i32
      %dma_start3A_76 = arith.constant 0 : i32
      %dma_start3A_77 = arith.constant 0 : i32
      %dma_start3A_78 = tpu.memref_slice %arg8[%dma_start3A_75, %dma_start3A_76, %dma_start3A_77] : memref<2x8x128xi32, #tpu.memory_space<vmem>> -> memref<1x8x128xi32, #tpu.memory_space<vmem>>
      %dma_start3A_79 = tpu.memref_squeeze %dma_start3A_78 : memref<1x8x128xi32, #tpu.memory_space<vmem>> -> memref<8x128xi32, #tpu.memory_space<vmem>>
      %dma_start3A_80 = arith.constant 0 : i32
      %dma_start3A_81 = arith.constant 0 : i32
      %dma_start3A_82 = tpu.memref_slice %arg3[%add3A_57, %dma_start3A_80, %dma_start3A_81] : memref<320x8x128xi32, #tpu.memory_space<hbm>> -> memref<1x8x128xi32, #tpu.memory_space<hbm>>
      %dma_start3A_83 = tpu.memref_squeeze %dma_start3A_82 : memref<1x8x128xi32, #tpu.memory_space<hbm>> -> memref<8x128xi32, #tpu.memory_space<hbm>>
      %dma_start3A_84 = arith.constant 0 : i32
      %dma_start3A_85 = arith.constant 0 : i32
      %dma_start3A_86 = tpu.memref_slice %arg8[%dma_start3A_75, %dma_start3A_84, %dma_start3A_85] : memref<2x8x128xi32, #tpu.memory_space<vmem>> -> memref<1x8x128xi32, #tpu.memory_space<vmem>>
      %dma_start3A_87 = tpu.memref_squeeze %dma_start3A_86 : memref<1x8x128xi32, #tpu.memory_space<vmem>> -> memref<8x128xi32, #tpu.memory_space<vmem>>
      %dma_start3A_88 = arith.constant 0 : i32
      %dma_start3A_89 = arith.constant 0 : i32
      %dma_start3A_90 = tpu.memref_slice %arg3[%add3A_57, %dma_start3A_88, %dma_start3A_89] : memref<320x8x128xi32, #tpu.memory_space<hbm>> -> memref<1x8x128xi32, #tpu.memory_space<hbm>>
      %dma_start3A_91 = tpu.memref_squeeze %dma_start3A_90 : memref<1x8x128xi32, #tpu.memory_space<hbm>> -> memref<8x128xi32, #tpu.memory_space<hbm>>
      tpu.enqueue_dma source(%dma_start3A_91 : memref<8x128xi32, #tpu.memory_space<hbm>>) target(%dma_start3A_87 : memref<8x128xi32, #tpu.memory_space<vmem>>) target_semaphore(%arg17 : memref<!tpu.dma_semaphore, #tpu.memory_space<semaphore_mem>>)
    } else {
    }
    %barrier3A = arith.constant 0 : index
    tpu.barrier barrier_id(%barrier3A)
    %while3A = arith.constant 0 : i32
    %while3A_46 = arith.constant 0 : i32
    %while3A_47 = arith.subi %select_n3A_10, %while3A_46 : i32
    %while3A_48 = arith.addi %while3A_46, %while3A_47 : i32
    %while3A_49 = arith.constant 1 : i32
    %while3A_50 = arith.divsi %while3A_47, %while3A_49 : i32
    %while3A_51 = arith.muli %while3A_50, %while3A_49 : i32
    %while3A_52 = arith.addi %while3A_46, %while3A_51 : i32
    %while3A_53 = arith.constant 1 : i32
    scf.for %while3A_56 = %while3A_46 to %while3A_52 step %while3A_53  : i32 {
      %jit3A_57 = arith.constant 2 : i32
      %eq3A_58 = arith.constant 0 : i32
      %eq3A_59 = arith.cmpi eq, %jit3A_57, %eq3A_58 : i32
      %jit3A_60 = arith.constant 1 : i32
      %select_n3A_61 = arith.select %eq3A_59, %jit3A_60, %jit3A_57 : i32
      %rem3A = arith.remsi %while3A_56, %select_n3A_61 : i32
      %ne3A = arith.constant 0 : i32
      %ne3A_62 = arith.cmpi ne, %rem3A, %ne3A : i32
      %lt3A = arith.constant 0 : i32
      %lt3A_63 = arith.cmpi slt, %rem3A, %lt3A : i32
      %lt3A_64 = arith.constant 0 : i32
      %lt3A_65 = arith.cmpi slt, %select_n3A_61, %lt3A_64 : i32
      %ne3A_66 = arith.xori %lt3A_63, %lt3A_65 : i1
      %and3A = arith.andi %ne3A_66, %ne3A_62 : i1
      %add3A_67 = arith.addi %rem3A, %select_n3A_61 : i32
      %select_n3A_68 = arith.select %and3A, %add3A_67, %rem3A : i32
      %eq3A_69 = arith.constant 0 : i32
      %eq3A_70 = arith.cmpi eq, %select_n3A_68, %eq3A_69 : i32
      %convert_element_type3A_71 = arith.extui %eq3A_70 : i1 to i32
      %cond3A_72 = arith.constant 0 : i32
      %cond3A_73 = arith.cmpi ne, %convert_element_type3A_71, %cond3A_72 : i32
      scf.if %cond3A_73 {
        %dma_wait3A = arith.constant 0 : i32
        %dma_wait3A_104 = arith.constant 0 : i32
        %dma_wait3A_105 = arith.constant 0 : i32
        %dma_wait3A_106 = arith.constant 0 : i32
        %dma_wait3A_107 = tpu.memref_slice %arg7[%dma_wait3A_104, %dma_wait3A_105, %dma_wait3A_106] : memref<2x8x128xi32, #tpu.memory_space<vmem>> -> memref<1x8x128xi32, #tpu.memory_space<vmem>>
        %dma_wait3A_108 = tpu.memref_squeeze %dma_wait3A_107 : memref<1x8x128xi32, #tpu.memory_space<vmem>> -> memref<8x128xi32, #tpu.memory_space<vmem>>
        %dma_wait3A_109 = arith.constant 0 : i32
        %dma_wait3A_110 = arith.constant 0 : i32
        %dma_wait3A_111 = tpu.memref_slice %arg2[%dma_wait3A, %dma_wait3A_109, %dma_wait3A_110] : memref<320x8x128xi32, #tpu.memory_space<hbm>> -> memref<1x8x128xi32, #tpu.memory_space<hbm>>
        %dma_wait3A_112 = tpu.memref_squeeze %dma_wait3A_111 : memref<1x8x128xi32, #tpu.memory_space<hbm>> -> memref<8x128xi32, #tpu.memory_space<hbm>>
        %dma_wait3A_113 = arith.constant 0 : i32
        %dma_wait3A_114 = arith.constant 0 : i32
        %dma_wait3A_115 = tpu.memref_slice %arg7[%dma_wait3A_104, %dma_wait3A_113, %dma_wait3A_114] : memref<2x8x128xi32, #tpu.memory_space<vmem>> -> memref<1x8x128xi32, #tpu.memory_space<vmem>>
        %dma_wait3A_116 = tpu.memref_squeeze %dma_wait3A_115 : memref<1x8x128xi32, #tpu.memory_space<vmem>> -> memref<8x128xi32, #tpu.memory_space<vmem>>
        %dma_wait3A_117 = arith.constant 0 : i32
        %dma_wait3A_118 = arith.constant 0 : i32
        %dma_wait3A_119 = tpu.memref_slice %arg2[%dma_wait3A, %dma_wait3A_117, %dma_wait3A_118] : memref<320x8x128xi32, #tpu.memory_space<hbm>> -> memref<1x8x128xi32, #tpu.memory_space<hbm>>
        %dma_wait3A_120 = tpu.memref_squeeze %dma_wait3A_119 : memref<1x8x128xi32, #tpu.memory_space<hbm>> -> memref<8x128xi32, #tpu.memory_space<hbm>>
        tpu.wait_dma2 semaphore(%arg14 : memref<!tpu.dma_semaphore, #tpu.memory_space<semaphore_mem>>) src(%dma_wait3A_120 : memref<8x128xi32, #tpu.memory_space<hbm>>) dst(%dma_wait3A_116 : memref<8x128xi32, #tpu.memory_space<vmem>>)
        %dma_wait3A_121 = arith.constant 0 : i32
        %dma_wait3A_122 = arith.constant 0 : i32
        %dma_wait3A_123 = arith.constant 0 : i32
        %dma_wait3A_124 = arith.constant 0 : i32
        %dma_wait3A_125 = tpu.memref_slice %arg8[%dma_wait3A_122, %dma_wait3A_123, %dma_wait3A_124] : memref<2x8x128xi32, #tpu.memory_space<vmem>> -> memref<1x8x128xi32, #tpu.memory_space<vmem>>
        %dma_wait3A_126 = tpu.memref_squeeze %dma_wait3A_125 : memref<1x8x128xi32, #tpu.memory_space<vmem>> -> memref<8x128xi32, #tpu.memory_space<vmem>>
        %dma_wait3A_127 = arith.constant 0 : i32
        %dma_wait3A_128 = arith.constant 0 : i32
        %dma_wait3A_129 = tpu.memref_slice %arg3[%dma_wait3A_121, %dma_wait3A_127, %dma_wait3A_128] : memref<320x8x128xi32, #tpu.memory_space<hbm>> -> memref<1x8x128xi32, #tpu.memory_space<hbm>>
        %dma_wait3A_130 = tpu.memref_squeeze %dma_wait3A_129 : memref<1x8x128xi32, #tpu.memory_space<hbm>> -> memref<8x128xi32, #tpu.memory_space<hbm>>
        %dma_wait3A_131 = arith.constant 0 : i32
        %dma_wait3A_132 = arith.constant 0 : i32
        %dma_wait3A_133 = tpu.memref_slice %arg8[%dma_wait3A_122, %dma_wait3A_131, %dma_wait3A_132] : memref<2x8x128xi32, #tpu.memory_space<vmem>> -> memref<1x8x128xi32, #tpu.memory_space<vmem>>
        %dma_wait3A_134 = tpu.memref_squeeze %dma_wait3A_133 : memref<1x8x128xi32, #tpu.memory_space<vmem>> -> memref<8x128xi32, #tpu.memory_space<vmem>>
        %dma_wait3A_135 = arith.constant 0 : i32
        %dma_wait3A_136 = arith.constant 0 : i32
        %dma_wait3A_137 = tpu.memref_slice %arg3[%dma_wait3A_121, %dma_wait3A_135, %dma_wait3A_136] : memref<320x8x128xi32, #tpu.memory_space<hbm>> -> memref<1x8x128xi32, #tpu.memory_space<hbm>>
        %dma_wait3A_138 = tpu.memref_squeeze %dma_wait3A_137 : memref<1x8x128xi32, #tpu.memory_space<hbm>> -> memref<8x128xi32, #tpu.memory_space<hbm>>
        tpu.wait_dma2 semaphore(%arg16 : memref<!tpu.dma_semaphore, #tpu.memory_space<semaphore_mem>>) src(%dma_wait3A_138 : memref<8x128xi32, #tpu.memory_space<hbm>>) dst(%dma_wait3A_134 : memref<8x128xi32, #tpu.memory_space<vmem>>)
      } else {
      }
      %eq3A_74 = arith.constant 1 : i32
      %eq3A_75 = arith.cmpi eq, %select_n3A_68, %eq3A_74 : i32
      %convert_element_type3A_76 = arith.extui %eq3A_75 : i1 to i32
      %cond3A_77 = arith.constant 0 : i32
      %cond3A_78 = arith.cmpi ne, %convert_element_type3A_76, %cond3A_77 : i32
      scf.if %cond3A_78 {
        %dma_wait3A = arith.constant 0 : i32
        %dma_wait3A_104 = arith.constant 1 : i32
        %dma_wait3A_105 = arith.constant 0 : i32
        %dma_wait3A_106 = arith.constant 0 : i32
        %dma_wait3A_107 = tpu.memref_slice %arg7[%dma_wait3A_104, %dma_wait3A_105, %dma_wait3A_106] : memref<2x8x128xi32, #tpu.memory_space<vmem>> -> memref<1x8x128xi32, #tpu.memory_space<vmem>>
        %dma_wait3A_108 = tpu.memref_squeeze %dma_wait3A_107 : memref<1x8x128xi32, #tpu.memory_space<vmem>> -> memref<8x128xi32, #tpu.memory_space<vmem>>
        %dma_wait3A_109 = arith.constant 0 : i32
        %dma_wait3A_110 = arith.constant 0 : i32
        %dma_wait3A_111 = tpu.memref_slice %arg2[%dma_wait3A, %dma_wait3A_109, %dma_wait3A_110] : memref<320x8x128xi32, #tpu.memory_space<hbm>> -> memref<1x8x128xi32, #tpu.memory_space<hbm>>
        %dma_wait3A_112 = tpu.memref_squeeze %dma_wait3A_111 : memref<1x8x128xi32, #tpu.memory_space<hbm>> -> memref<8x128xi32, #tpu.memory_space<hbm>>
        %dma_wait3A_113 = arith.constant 0 : i32
        %dma_wait3A_114 = arith.constant 0 : i32
        %dma_wait3A_115 = tpu.memref_slice %arg7[%dma_wait3A_104, %dma_wait3A_113, %dma_wait3A_114] : memref<2x8x128xi32, #tpu.memory_space<vmem>> -> memref<1x8x128xi32, #tpu.memory_space<vmem>>
        %dma_wait3A_116 = tpu.memref_squeeze %dma_wait3A_115 : memref<1x8x128xi32, #tpu.memory_space<vmem>> -> memref<8x128xi32, #tpu.memory_space<vmem>>
        %dma_wait3A_117 = arith.constant 0 : i32
        %dma_wait3A_118 = arith.constant 0 : i32
        %dma_wait3A_119 = tpu.memref_slice %arg2[%dma_wait3A, %dma_wait3A_117, %dma_wait3A_118] : memref<320x8x128xi32, #tpu.memory_space<hbm>> -> memref<1x8x128xi32, #tpu.memory_space<hbm>>
        %dma_wait3A_120 = tpu.memref_squeeze %dma_wait3A_119 : memref<1x8x128xi32, #tpu.memory_space<hbm>> -> memref<8x128xi32, #tpu.memory_space<hbm>>
        tpu.wait_dma2 semaphore(%arg15 : memref<!tpu.dma_semaphore, #tpu.memory_space<semaphore_mem>>) src(%dma_wait3A_120 : memref<8x128xi32, #tpu.memory_space<hbm>>) dst(%dma_wait3A_116 : memref<8x128xi32, #tpu.memory_space<vmem>>)
        %dma_wait3A_121 = arith.constant 0 : i32
        %dma_wait3A_122 = arith.constant 1 : i32
        %dma_wait3A_123 = arith.constant 0 : i32
        %dma_wait3A_124 = arith.constant 0 : i32
        %dma_wait3A_125 = tpu.memref_slice %arg8[%dma_wait3A_122, %dma_wait3A_123, %dma_wait3A_124] : memref<2x8x128xi32, #tpu.memory_space<vmem>> -> memref<1x8x128xi32, #tpu.memory_space<vmem>>
        %dma_wait3A_126 = tpu.memref_squeeze %dma_wait3A_125 : memref<1x8x128xi32, #tpu.memory_space<vmem>> -> memref<8x128xi32, #tpu.memory_space<vmem>>
        %dma_wait3A_127 = arith.constant 0 : i32
        %dma_wait3A_128 = arith.constant 0 : i32
        %dma_wait3A_129 = tpu.memref_slice %arg3[%dma_wait3A_121, %dma_wait3A_127, %dma_wait3A_128] : memref<320x8x128xi32, #tpu.memory_space<hbm>> -> memref<1x8x128xi32, #tpu.memory_space<hbm>>
        %dma_wait3A_130 = tpu.memref_squeeze %dma_wait3A_129 : memref<1x8x128xi32, #tpu.memory_space<hbm>> -> memref<8x128xi32, #tpu.memory_space<hbm>>
        %dma_wait3A_131 = arith.constant 0 : i32
        %dma_wait3A_132 = arith.constant 0 : i32
        %dma_wait3A_133 = tpu.memref_slice %arg8[%dma_wait3A_122, %dma_wait3A_131, %dma_wait3A_132] : memref<2x8x128xi32, #tpu.memory_space<vmem>> -> memref<1x8x128xi32, #tpu.memory_space<vmem>>
        %dma_wait3A_134 = tpu.memref_squeeze %dma_wait3A_133 : memref<1x8x128xi32, #tpu.memory_space<vmem>> -> memref<8x128xi32, #tpu.memory_space<vmem>>
        %dma_wait3A_135 = arith.constant 0 : i32
        %dma_wait3A_136 = arith.constant 0 : i32
        %dma_wait3A_137 = tpu.memref_slice %arg3[%dma_wait3A_121, %dma_wait3A_135, %dma_wait3A_136] : memref<320x8x128xi32, #tpu.memory_space<hbm>> -> memref<1x8x128xi32, #tpu.memory_space<hbm>>
        %dma_wait3A_138 = tpu.memref_squeeze %dma_wait3A_137 : memref<1x8x128xi32, #tpu.memory_space<hbm>> -> memref<8x128xi32, #tpu.memory_space<hbm>>
        tpu.wait_dma2 semaphore(%arg17 : memref<!tpu.dma_semaphore, #tpu.memory_space<semaphore_mem>>) src(%dma_wait3A_138 : memref<8x128xi32, #tpu.memory_space<hbm>>) dst(%dma_wait3A_134 : memref<8x128xi32, #tpu.memory_space<vmem>>)
      } else {
      }
      %dma_start3A_79 = arith.constant 0 : i32
      %dma_start3A_80 = arith.constant 0 : i32
      %dma_start3A_81 = tpu.memref_slice %arg7[%select_n3A_68, %dma_start3A_79, %dma_start3A_80] : memref<2x8x128xi32, #tpu.memory_space<vmem>> -> memref<1x1x128xi32, #tpu.memory_space<vmem>>
      %dma_start3A_82 = tpu.memref_squeeze %dma_start3A_81 : memref<1x1x128xi32, #tpu.memory_space<vmem>> -> memref<128xi32, #tpu.memory_space<vmem>>
      %dma_start3A_83 = arith.constant 0 : i32
      %dma_start3A_84 = arith.constant 0 : i32
      %dma_start3A_85 = tpu.memref_slice %arg4[%dma_start3A_83, %dma_start3A_84] : memref<10240x128xf32, #tpu.memory_space<hbm>> -> memref<10240x128xf32, #tpu.memory_space<hbm>>
      tpu.enqueue_indirect_dma source(%dma_start3A_85 : memref<10240x128xf32, #tpu.memory_space<hbm>>) target(%arg9 : memref<128x128xf32, #tpu.memory_space<vmem>>) offsets(%dma_start3A_82 : memref<128xi32, #tpu.memory_space<vmem>>) semaphore(%arg12 : memref<!tpu.dma_semaphore, #tpu.memory_space<semaphore_mem>>)
      %dma_start3A_86 = arith.constant 1 : i32
      %dma_start3A_87 = arith.constant 0 : i32
      %dma_start3A_88 = tpu.memref_slice %arg7[%select_n3A_68, %dma_start3A_86, %dma_start3A_87] : memref<2x8x128xi32, #tpu.memory_space<vmem>> -> memref<1x1x128xi32, #tpu.memory_space<vmem>>
      %dma_start3A_89 = tpu.memref_squeeze %dma_start3A_88 : memref<1x1x128xi32, #tpu.memory_space<vmem>> -> memref<128xi32, #tpu.memory_space<vmem>>
      %dma_start3A_90 = arith.constant 0 : i32
      %dma_start3A_91 = arith.constant 0 : i32
      %dma_start3A_92 = tpu.memref_slice %arg4[%dma_start3A_90, %dma_start3A_91] : memref<10240x128xf32, #tpu.memory_space<hbm>> -> memref<10240x128xf32, #tpu.memory_space<hbm>>
      tpu.enqueue_indirect_dma source(%dma_start3A_92 : memref<10240x128xf32, #tpu.memory_space<hbm>>) target(%arg10 : memref<128x128xf32, #tpu.memory_space<vmem>>) offsets(%dma_start3A_89 : memref<128xi32, #tpu.memory_space<vmem>>) semaphore(%arg13 : memref<!tpu.dma_semaphore, #tpu.memory_space<semaphore_mem>>)
      %scan3A = arith.constant 0 : i32
      %scan3A_93 = arith.constant 0 : i32
      %scan3A_94 = arith.constant 4 : i32
      %scan3A_95 = arith.addi %scan3A_93, %scan3A_94 : i32
      %scan3A_96 = arith.constant 1 : i32
      scf.for %scan3A_104 = %scan3A_93 to %scan3A_95 step %scan3A_96  : i32 {
        %mul3A_105 = arith.constant 2 : i32
        %mul3A_106 = arith.muli %mul3A_105, %scan3A_104 : i32
        %add3A_107 = arith.constant 0 : i32
        %add3A_108 = arith.addi %mul3A_106, %add3A_107 : i32
        %dma_wait3A = arith.constant 0 : i32
        %dma_wait3A_109 = arith.constant 0 : i32
        %dma_wait3A_110 = tpu.memref_slice %arg4[%dma_wait3A, %dma_wait3A_109] : memref<10240x128xf32, #tpu.memory_space<hbm>> -> memref<128x128xf32, #tpu.memory_space<hbm>>
        %dma_wait3A_111 = arith.constant 0 : i32
        %dma_wait3A_112 = arith.constant 0 : i32
        %dma_wait3A_113 = tpu.memref_slice %arg4[%dma_wait3A_111, %dma_wait3A_112] : memref<10240x128xf32, #tpu.memory_space<hbm>> -> memref<128x128xf32, #tpu.memory_space<hbm>>
        tpu.wait_dma2 semaphore(%arg12 : memref<!tpu.dma_semaphore, #tpu.memory_space<semaphore_mem>>) src(%dma_wait3A_113 : memref<128x128xf32, #tpu.memory_space<hbm>>) dst(%arg9 : memref<128x128xf32, #tpu.memory_space<vmem>>)
        "tpu.region"() ({
          %run_scoped3A = tpu.sem_alloc : memref<!tpu.dma_semaphore, #tpu.memory_space<semaphore_mem>>
          %dma_start3A_138 = arith.constant 0 : i32
          %dma_start3A_139 = tpu.memref_slice %arg8[%select_n3A_68, %add3A_108, %dma_start3A_138] : memref<2x8x128xi32, #tpu.memory_space<vmem>> -> memref<1x1x128xi32, #tpu.memory_space<vmem>>
          %dma_start3A_140 = tpu.memref_squeeze %dma_start3A_139 : memref<1x1x128xi32, #tpu.memory_space<vmem>> -> memref<128xi32, #tpu.memory_space<vmem>>
          %dma_start3A_141 = arith.constant 0 : i32
          %dma_start3A_142 = arith.constant 0 : i32
          %dma_start3A_143 = tpu.memref_slice %arg11[%dma_start3A_141, %dma_start3A_142] : memref<10240x128xf32, #tpu.memory_space<vmem_shared>> -> memref<10240x128xf32, #tpu.memory_space<vmem_shared>>
          tpu.enqueue_indirect_dma source(%arg9 : memref<128x128xf32, #tpu.memory_space<vmem>>) target(%dma_start3A_143 : memref<10240x128xf32, #tpu.memory_space<vmem_shared>>) offsets(%dma_start3A_140 : memref<128xi32, #tpu.memory_space<vmem>>) semaphore(%run_scoped3A : memref<!tpu.dma_semaphore, #tpu.memory_space<semaphore_mem>>) {add = true}
          %dma_wait3A_144 = arith.constant 0 : i32
          %dma_wait3A_145 = tpu.memref_slice %arg8[%select_n3A_68, %add3A_108, %dma_wait3A_144] : memref<2x8x128xi32, #tpu.memory_space<vmem>> -> memref<1x1x128xi32, #tpu.memory_space<vmem>>
          %dma_wait3A_146 = tpu.memref_squeeze %dma_wait3A_145 : memref<1x1x128xi32, #tpu.memory_space<vmem>> -> memref<128xi32, #tpu.memory_space<vmem>>
          %dma_wait3A_147 = arith.constant 0 : i32
          %dma_wait3A_148 = arith.constant 0 : i32
          %dma_wait3A_149 = tpu.memref_slice %arg11[%dma_wait3A_147, %dma_wait3A_148] : memref<10240x128xf32, #tpu.memory_space<vmem_shared>> -> memref<10240x128xf32, #tpu.memory_space<vmem_shared>>
          tpu.wait_indirect_dma semaphore(%run_scoped3A : memref<!tpu.dma_semaphore, #tpu.memory_space<semaphore_mem>>) src(%arg9 : memref<128x128xf32, #tpu.memory_space<vmem>>) dst(%dma_wait3A_149 : memref<10240x128xf32, #tpu.memory_space<vmem_shared>>)
          tpu.yield
        }) : () -> ()
        %add3A_114 = arith.constant 2 : i32
        %add3A_115 = arith.addi %add3A_108, %add3A_114 : i32
        %lt3A_116 = arith.constant 8 : i32
        %lt3A_117 = arith.cmpi slt, %add3A_115, %lt3A_116 : i32
        %convert_element_type3A_118 = arith.extui %lt3A_117 : i1 to i32
        %cond3A_119 = arith.constant 0 : i32
        %cond3A_120 = arith.cmpi ne, %convert_element_type3A_118, %cond3A_119 : i32
        scf.if %cond3A_120 {
          %add3A_138 = arith.constant 2 : i32
          %add3A_139 = arith.addi %add3A_108, %add3A_138 : i32
          %min3A = arith.constant 7 : i32
          %min3A_140 = arith.minsi %add3A_139, %min3A : i32
          %dma_start3A_141 = arith.constant 0 : i32
          %dma_start3A_142 = tpu.memref_slice %arg7[%select_n3A_68, %min3A_140, %dma_start3A_141] : memref<2x8x128xi32, #tpu.memory_space<vmem>> -> memref<1x1x128xi32, #tpu.memory_space<vmem>>
          %dma_start3A_143 = tpu.memref_squeeze %dma_start3A_142 : memref<1x1x128xi32, #tpu.memory_space<vmem>> -> memref<128xi32, #tpu.memory_space<vmem>>
          %dma_start3A_144 = arith.constant 0 : i32
          %dma_start3A_145 = arith.constant 0 : i32
          %dma_start3A_146 = tpu.memref_slice %arg4[%dma_start3A_144, %dma_start3A_145] : memref<10240x128xf32, #tpu.memory_space<hbm>> -> memref<10240x128xf32, #tpu.memory_space<hbm>>
          tpu.enqueue_indirect_dma source(%dma_start3A_146 : memref<10240x128xf32, #tpu.memory_space<hbm>>) target(%arg9 : memref<128x128xf32, #tpu.memory_space<vmem>>) offsets(%dma_start3A_143 : memref<128xi32, #tpu.memory_space<vmem>>) semaphore(%arg12 : memref<!tpu.dma_semaphore, #tpu.memory_space<semaphore_mem>>)
        } else {
        }
        %mul3A_121 = arith.constant 2 : i32
        %mul3A_122 = arith.muli %mul3A_121, %scan3A_104 : i32
        %add3A_123 = arith.constant 1 : i32
        %add3A_124 = arith.addi %mul3A_122, %add3A_123 : i32
        %dma_wait3A_125 = arith.constant 0 : i32
        %dma_wait3A_126 = arith.constant 0 : i32
        %dma_wait3A_127 = tpu.memref_slice %arg4[%dma_wait3A_125, %dma_wait3A_126] : memref<10240x128xf32, #tpu.memory_space<hbm>> -> memref<128x128xf32, #tpu.memory_space<hbm>>
        %dma_wait3A_128 = arith.constant 0 : i32
        %dma_wait3A_129 = arith.constant 0 : i32
        %dma_wait3A_130 = tpu.memref_slice %arg4[%dma_wait3A_128, %dma_wait3A_129] : memref<10240x128xf32, #tpu.memory_space<hbm>> -> memref<128x128xf32, #tpu.memory_space<hbm>>
        tpu.wait_dma2 semaphore(%arg13 : memref<!tpu.dma_semaphore, #tpu.memory_space<semaphore_mem>>) src(%dma_wait3A_130 : memref<128x128xf32, #tpu.memory_space<hbm>>) dst(%arg10 : memref<128x128xf32, #tpu.memory_space<vmem>>)
        "tpu.region"() ({
          %run_scoped3A = tpu.sem_alloc : memref<!tpu.dma_semaphore, #tpu.memory_space<semaphore_mem>>
          %dma_start3A_138 = arith.constant 0 : i32
          %dma_start3A_139 = tpu.memref_slice %arg8[%select_n3A_68, %add3A_124, %dma_start3A_138] : memref<2x8x128xi32, #tpu.memory_space<vmem>> -> memref<1x1x128xi32, #tpu.memory_space<vmem>>
          %dma_start3A_140 = tpu.memref_squeeze %dma_start3A_139 : memref<1x1x128xi32, #tpu.memory_space<vmem>> -> memref<128xi32, #tpu.memory_space<vmem>>
          %dma_start3A_141 = arith.constant 0 : i32
          %dma_start3A_142 = arith.constant 0 : i32
          %dma_start3A_143 = tpu.memref_slice %arg11[%dma_start3A_141, %dma_start3A_142] : memref<10240x128xf32, #tpu.memory_space<vmem_shared>> -> memref<10240x128xf32, #tpu.memory_space<vmem_shared>>
          tpu.enqueue_indirect_dma source(%arg10 : memref<128x128xf32, #tpu.memory_space<vmem>>) target(%dma_start3A_143 : memref<10240x128xf32, #tpu.memory_space<vmem_shared>>) offsets(%dma_start3A_140 : memref<128xi32, #tpu.memory_space<vmem>>) semaphore(%run_scoped3A : memref<!tpu.dma_semaphore, #tpu.memory_space<semaphore_mem>>) {add = true}
          %dma_wait3A_144 = arith.constant 0 : i32
          %dma_wait3A_145 = tpu.memref_slice %arg8[%select_n3A_68, %add3A_124, %dma_wait3A_144] : memref<2x8x128xi32, #tpu.memory_space<vmem>> -> memref<1x1x128xi32, #tpu.memory_space<vmem>>
          %dma_wait3A_146 = tpu.memref_squeeze %dma_wait3A_145 : memref<1x1x128xi32, #tpu.memory_space<vmem>> -> memref<128xi32, #tpu.memory_space<vmem>>
          %dma_wait3A_147 = arith.constant 0 : i32
          %dma_wait3A_148 = arith.constant 0 : i32
          %dma_wait3A_149 = tpu.memref_slice %arg11[%dma_wait3A_147, %dma_wait3A_148] : memref<10240x128xf32, #tpu.memory_space<vmem_shared>> -> memref<10240x128xf32, #tpu.memory_space<vmem_shared>>
          tpu.wait_indirect_dma semaphore(%run_scoped3A : memref<!tpu.dma_semaphore, #tpu.memory_space<semaphore_mem>>) src(%arg10 : memref<128x128xf32, #tpu.memory_space<vmem>>) dst(%dma_wait3A_149 : memref<10240x128xf32, #tpu.memory_space<vmem_shared>>)
          tpu.yield
        }) : () -> ()
        %add3A_131 = arith.constant 2 : i32
        %add3A_132 = arith.addi %add3A_124, %add3A_131 : i32
        %lt3A_133 = arith.constant 8 : i32
        %lt3A_134 = arith.cmpi slt, %add3A_132, %lt3A_133 : i32
        %convert_element_type3A_135 = arith.extui %lt3A_134 : i1 to i32
        %cond3A_136 = arith.constant 0 : i32
        %cond3A_137 = arith.cmpi ne, %convert_element_type3A_135, %cond3A_136 : i32
        scf.if %cond3A_137 {
          %add3A_138 = arith.constant 2 : i32
          %add3A_139 = arith.addi %add3A_124, %add3A_138 : i32
          %min3A = arith.constant 7 : i32
          %min3A_140 = arith.minsi %add3A_139, %min3A : i32
          %dma_start3A_141 = arith.constant 0 : i32
          %dma_start3A_142 = tpu.memref_slice %arg7[%select_n3A_68, %min3A_140, %dma_start3A_141] : memref<2x8x128xi32, #tpu.memory_space<vmem>> -> memref<1x1x128xi32, #tpu.memory_space<vmem>>
          %dma_start3A_143 = tpu.memref_squeeze %dma_start3A_142 : memref<1x1x128xi32, #tpu.memory_space<vmem>> -> memref<128xi32, #tpu.memory_space<vmem>>
          %dma_start3A_144 = arith.constant 0 : i32
          %dma_start3A_145 = arith.constant 0 : i32
          %dma_start3A_146 = tpu.memref_slice %arg4[%dma_start3A_144, %dma_start3A_145] : memref<10240x128xf32, #tpu.memory_space<hbm>> -> memref<10240x128xf32, #tpu.memory_space<hbm>>
          tpu.enqueue_indirect_dma source(%dma_start3A_146 : memref<10240x128xf32, #tpu.memory_space<hbm>>) target(%arg10 : memref<128x128xf32, #tpu.memory_space<vmem>>) offsets(%dma_start3A_143 : memref<128xi32, #tpu.memory_space<vmem>>) semaphore(%arg13 : memref<!tpu.dma_semaphore, #tpu.memory_space<semaphore_mem>>)
        } else {
        }
      }
      %scan3A_97 = arith.constant 4 : i32
      %add3A_98 = arith.constant 2 : i32
      %add3A_99 = arith.addi %while3A_56, %add3A_98 : i32
      %lt3A_100 = arith.cmpi slt, %add3A_99, %select_n3A_10 : i32
      %convert_element_type3A_101 = arith.extui %lt3A_100 : i1 to i32
      %cond3A_102 = arith.constant 0 : i32
      %cond3A_103 = arith.cmpi ne, %convert_element_type3A_101, %cond3A_102 : i32
      scf.if %cond3A_103 {
        %add3A_104 = arith.constant 2 : i32
        %add3A_105 = arith.addi %while3A_56, %add3A_104 : i32
        %sub3A = arith.constant 1 : i32
        %sub3A_106 = arith.subi %select_n3A_10, %sub3A : i32
        %min3A = arith.minsi %add3A_105, %sub3A_106 : i32
        %add3A_107 = arith.addi %select_n3A, %min3A : i32
        %eq3A_108 = arith.constant 0 : i32
        %eq3A_109 = arith.cmpi eq, %select_n3A_68, %eq3A_108 : i32
        %convert_element_type3A_110 = arith.extui %eq3A_109 : i1 to i32
        %cond3A_111 = arith.constant 0 : i32
        %cond3A_112 = arith.cmpi ne, %convert_element_type3A_110, %cond3A_111 : i32
        scf.if %cond3A_112 {
          %dma_start3A_118 = arith.constant 0 : i32
          %dma_start3A_119 = arith.constant 0 : i32
          %dma_start3A_120 = arith.constant 0 : i32
          %dma_start3A_121 = tpu.memref_slice %arg7[%dma_start3A_118, %dma_start3A_119, %dma_start3A_120] : memref<2x8x128xi32, #tpu.memory_space<vmem>> -> memref<1x8x128xi32, #tpu.memory_space<vmem>>
          %dma_start3A_122 = tpu.memref_squeeze %dma_start3A_121 : memref<1x8x128xi32, #tpu.memory_space<vmem>> -> memref<8x128xi32, #tpu.memory_space<vmem>>
          %dma_start3A_123 = arith.constant 0 : i32
          %dma_start3A_124 = arith.constant 0 : i32
          %dma_start3A_125 = tpu.memref_slice %arg2[%add3A_107, %dma_start3A_123, %dma_start3A_124] : memref<320x8x128xi32, #tpu.memory_space<hbm>> -> memref<1x8x128xi32, #tpu.memory_space<hbm>>
          %dma_start3A_126 = tpu.memref_squeeze %dma_start3A_125 : memref<1x8x128xi32, #tpu.memory_space<hbm>> -> memref<8x128xi32, #tpu.memory_space<hbm>>
          %dma_start3A_127 = arith.constant 0 : i32
          %dma_start3A_128 = arith.constant 0 : i32
          %dma_start3A_129 = tpu.memref_slice %arg7[%dma_start3A_118, %dma_start3A_127, %dma_start3A_128] : memref<2x8x128xi32, #tpu.memory_space<vmem>> -> memref<1x8x128xi32, #tpu.memory_space<vmem>>
          %dma_start3A_130 = tpu.memref_squeeze %dma_start3A_129 : memref<1x8x128xi32, #tpu.memory_space<vmem>> -> memref<8x128xi32, #tpu.memory_space<vmem>>
          %dma_start3A_131 = arith.constant 0 : i32
          %dma_start3A_132 = arith.constant 0 : i32
          %dma_start3A_133 = tpu.memref_slice %arg2[%add3A_107, %dma_start3A_131, %dma_start3A_132] : memref<320x8x128xi32, #tpu.memory_space<hbm>> -> memref<1x8x128xi32, #tpu.memory_space<hbm>>
          %dma_start3A_134 = tpu.memref_squeeze %dma_start3A_133 : memref<1x8x128xi32, #tpu.memory_space<hbm>> -> memref<8x128xi32, #tpu.memory_space<hbm>>
          tpu.enqueue_dma source(%dma_start3A_134 : memref<8x128xi32, #tpu.memory_space<hbm>>) target(%dma_start3A_130 : memref<8x128xi32, #tpu.memory_space<vmem>>) target_semaphore(%arg14 : memref<!tpu.dma_semaphore, #tpu.memory_space<semaphore_mem>>)
          %dma_start3A_135 = arith.constant 0 : i32
          %dma_start3A_136 = arith.constant 0 : i32
          %dma_start3A_137 = arith.constant 0 : i32
          %dma_start3A_138 = tpu.memref_slice %arg8[%dma_start3A_135, %dma_start3A_136, %dma_start3A_137] : memref<2x8x128xi32, #tpu.memory_space<vmem>> -> memref<1x8x128xi32, #tpu.memory_space<vmem>>
          %dma_start3A_139 = tpu.memref_squeeze %dma_start3A_138 : memref<1x8x128xi32, #tpu.memory_space<vmem>> -> memref<8x128xi32, #tpu.memory_space<vmem>>
          %dma_start3A_140 = arith.constant 0 : i32
          %dma_start3A_141 = arith.constant 0 : i32
          %dma_start3A_142 = tpu.memref_slice %arg3[%add3A_107, %dma_start3A_140, %dma_start3A_141] : memref<320x8x128xi32, #tpu.memory_space<hbm>> -> memref<1x8x128xi32, #tpu.memory_space<hbm>>
          %dma_start3A_143 = tpu.memref_squeeze %dma_start3A_142 : memref<1x8x128xi32, #tpu.memory_space<hbm>> -> memref<8x128xi32, #tpu.memory_space<hbm>>
          %dma_start3A_144 = arith.constant 0 : i32
          %dma_start3A_145 = arith.constant 0 : i32
          %dma_start3A_146 = tpu.memref_slice %arg8[%dma_start3A_135, %dma_start3A_144, %dma_start3A_145] : memref<2x8x128xi32, #tpu.memory_space<vmem>> -> memref<1x8x128xi32, #tpu.memory_space<vmem>>
          %dma_start3A_147 = tpu.memref_squeeze %dma_start3A_146 : memref<1x8x128xi32, #tpu.memory_space<vmem>> -> memref<8x128xi32, #tpu.memory_space<vmem>>
          %dma_start3A_148 = arith.constant 0 : i32
          %dma_start3A_149 = arith.constant 0 : i32
          %dma_start3A_150 = tpu.memref_slice %arg3[%add3A_107, %dma_start3A_148, %dma_start3A_149] : memref<320x8x128xi32, #tpu.memory_space<hbm>> -> memref<1x8x128xi32, #tpu.memory_space<hbm>>
          %dma_start3A_151 = tpu.memref_squeeze %dma_start3A_150 : memref<1x8x128xi32, #tpu.memory_space<hbm>> -> memref<8x128xi32, #tpu.memory_space<hbm>>
          tpu.enqueue_dma source(%dma_start3A_151 : memref<8x128xi32, #tpu.memory_space<hbm>>) target(%dma_start3A_147 : memref<8x128xi32, #tpu.memory_space<vmem>>) target_semaphore(%arg16 : memref<!tpu.dma_semaphore, #tpu.memory_space<semaphore_mem>>)
        } else {
        }
        %eq3A_113 = arith.constant 1 : i32
        %eq3A_114 = arith.cmpi eq, %select_n3A_68, %eq3A_113 : i32
        %convert_element_type3A_115 = arith.extui %eq3A_114 : i1 to i32
        %cond3A_116 = arith.constant 0 : i32
        %cond3A_117 = arith.cmpi ne, %convert_element_type3A_115, %cond3A_116 : i32
        scf.if %cond3A_117 {
          %dma_start3A_118 = arith.constant 1 : i32
          %dma_start3A_119 = arith.constant 0 : i32
          %dma_start3A_120 = arith.constant 0 : i32
          %dma_start3A_121 = tpu.memref_slice %arg7[%dma_start3A_118, %dma_start3A_119, %dma_start3A_120] : memref<2x8x128xi32, #tpu.memory_space<vmem>> -> memref<1x8x128xi32, #tpu.memory_space<vmem>>
          %dma_start3A_122 = tpu.memref_squeeze %dma_start3A_121 : memref<1x8x128xi32, #tpu.memory_space<vmem>> -> memref<8x128xi32, #tpu.memory_space<vmem>>
          %dma_start3A_123 = arith.constant 0 : i32
          %dma_start3A_124 = arith.constant 0 : i32
          %dma_start3A_125 = tpu.memref_slice %arg2[%add3A_107, %dma_start3A_123, %dma_start3A_124] : memref<320x8x128xi32, #tpu.memory_space<hbm>> -> memref<1x8x128xi32, #tpu.memory_space<hbm>>
          %dma_start3A_126 = tpu.memref_squeeze %dma_start3A_125 : memref<1x8x128xi32, #tpu.memory_space<hbm>> -> memref<8x128xi32, #tpu.memory_space<hbm>>
          %dma_start3A_127 = arith.constant 0 : i32
          %dma_start3A_128 = arith.constant 0 : i32
          %dma_start3A_129 = tpu.memref_slice %arg7[%dma_start3A_118, %dma_start3A_127, %dma_start3A_128] : memref<2x8x128xi32, #tpu.memory_space<vmem>> -> memref<1x8x128xi32, #tpu.memory_space<vmem>>
          %dma_start3A_130 = tpu.memref_squeeze %dma_start3A_129 : memref<1x8x128xi32, #tpu.memory_space<vmem>> -> memref<8x128xi32, #tpu.memory_space<vmem>>
          %dma_start3A_131 = arith.constant 0 : i32
          %dma_start3A_132 = arith.constant 0 : i32
          %dma_start3A_133 = tpu.memref_slice %arg2[%add3A_107, %dma_start3A_131, %dma_start3A_132] : memref<320x8x128xi32, #tpu.memory_space<hbm>> -> memref<1x8x128xi32, #tpu.memory_space<hbm>>
          %dma_start3A_134 = tpu.memref_squeeze %dma_start3A_133 : memref<1x8x128xi32, #tpu.memory_space<hbm>> -> memref<8x128xi32, #tpu.memory_space<hbm>>
          tpu.enqueue_dma source(%dma_start3A_134 : memref<8x128xi32, #tpu.memory_space<hbm>>) target(%dma_start3A_130 : memref<8x128xi32, #tpu.memory_space<vmem>>) target_semaphore(%arg15 : memref<!tpu.dma_semaphore, #tpu.memory_space<semaphore_mem>>)
          %dma_start3A_135 = arith.constant 1 : i32
          %dma_start3A_136 = arith.constant 0 : i32
          %dma_start3A_137 = arith.constant 0 : i32
          %dma_start3A_138 = tpu.memref_slice %arg8[%dma_start3A_135, %dma_start3A_136, %dma_start3A_137] : memref<2x8x128xi32, #tpu.memory_space<vmem>> -> memref<1x8x128xi32, #tpu.memory_space<vmem>>
          %dma_start3A_139 = tpu.memref_squeeze %dma_start3A_138 : memref<1x8x128xi32, #tpu.memory_space<vmem>> -> memref<8x128xi32, #tpu.memory_space<vmem>>
          %dma_start3A_140 = arith.constant 0 : i32
          %dma_start3A_141 = arith.constant 0 : i32
          %dma_start3A_142 = tpu.memref_slice %arg3[%add3A_107, %dma_start3A_140, %dma_start3A_141] : memref<320x8x128xi32, #tpu.memory_space<hbm>> -> memref<1x8x128xi32, #tpu.memory_space<hbm>>
          %dma_start3A_143 = tpu.memref_squeeze %dma_start3A_142 : memref<1x8x128xi32, #tpu.memory_space<hbm>> -> memref<8x128xi32, #tpu.memory_space<hbm>>
          %dma_start3A_144 = arith.constant 0 : i32
          %dma_start3A_145 = arith.constant 0 : i32
          %dma_start3A_146 = tpu.memref_slice %arg8[%dma_start3A_135, %dma_start3A_144, %dma_start3A_145] : memref<2x8x128xi32, #tpu.memory_space<vmem>> -> memref<1x8x128xi32, #tpu.memory_space<vmem>>
          %dma_start3A_147 = tpu.memref_squeeze %dma_start3A_146 : memref<1x8x128xi32, #tpu.memory_space<vmem>> -> memref<8x128xi32, #tpu.memory_space<vmem>>
          %dma_start3A_148 = arith.constant 0 : i32
          %dma_start3A_149 = arith.constant 0 : i32
          %dma_start3A_150 = tpu.memref_slice %arg3[%add3A_107, %dma_start3A_148, %dma_start3A_149] : memref<320x8x128xi32, #tpu.memory_space<hbm>> -> memref<1x8x128xi32, #tpu.memory_space<hbm>>
          %dma_start3A_151 = tpu.memref_squeeze %dma_start3A_150 : memref<1x8x128xi32, #tpu.memory_space<hbm>> -> memref<8x128xi32, #tpu.memory_space<hbm>>
          tpu.enqueue_dma source(%dma_start3A_151 : memref<8x128xi32, #tpu.memory_space<hbm>>) target(%dma_start3A_147 : memref<8x128xi32, #tpu.memory_space<vmem>>) target_semaphore(%arg17 : memref<!tpu.dma_semaphore, #tpu.memory_space<semaphore_mem>>)
        } else {
        }
      } else {
      }
    }
    %while3A_54 = arith.constant 1 : i32
    scf.for %while3A_56 = %while3A_52 to %while3A_48 step %while3A_54  : i32 {
      %jit3A_57 = arith.constant 2 : i32
      %eq3A_58 = arith.constant 0 : i32
      %eq3A_59 = arith.cmpi eq, %jit3A_57, %eq3A_58 : i32
      %jit3A_60 = arith.constant 1 : i32
      %select_n3A_61 = arith.select %eq3A_59, %jit3A_60, %jit3A_57 : i32
      %rem3A = arith.remsi %while3A_56, %select_n3A_61 : i32
      %ne3A = arith.constant 0 : i32
      %ne3A_62 = arith.cmpi ne, %rem3A, %ne3A : i32
      %lt3A = arith.constant 0 : i32
      %lt3A_63 = arith.cmpi slt, %rem3A, %lt3A : i32
      %lt3A_64 = arith.constant 0 : i32
      %lt3A_65 = arith.cmpi slt, %select_n3A_61, %lt3A_64 : i32
      %ne3A_66 = arith.xori %lt3A_63, %lt3A_65 : i1
      %and3A = arith.andi %ne3A_66, %ne3A_62 : i1
      %add3A_67 = arith.addi %rem3A, %select_n3A_61 : i32
      %select_n3A_68 = arith.select %and3A, %add3A_67, %rem3A : i32
      %eq3A_69 = arith.constant 0 : i32
      %eq3A_70 = arith.cmpi eq, %select_n3A_68, %eq3A_69 : i32
      %convert_element_type3A_71 = arith.extui %eq3A_70 : i1 to i32
      %cond3A_72 = arith.constant 0 : i32
      %cond3A_73 = arith.cmpi ne, %convert_element_type3A_71, %cond3A_72 : i32
      scf.if %cond3A_73 {
        %dma_wait3A = arith.constant 0 : i32
        %dma_wait3A_104 = arith.constant 0 : i32
        %dma_wait3A_105 = arith.constant 0 : i32
        %dma_wait3A_106 = arith.constant 0 : i32
        %dma_wait3A_107 = tpu.memref_slice %arg7[%dma_wait3A_104, %dma_wait3A_105, %dma_wait3A_106] : memref<2x8x128xi32, #tpu.memory_space<vmem>> -> memref<1x8x128xi32, #tpu.memory_space<vmem>>
        %dma_wait3A_108 = tpu.memref_squeeze %dma_wait3A_107 : memref<1x8x128xi32, #tpu.memory_space<vmem>> -> memref<8x128xi32, #tpu.memory_space<vmem>>
        %dma_wait3A_109 = arith.constant 0 : i32
        %dma_wait3A_110 = arith.constant 0 : i32
        %dma_wait3A_111 = tpu.memref_slice %arg2[%dma_wait3A, %dma_wait3A_109, %dma_wait3A_110] : memref<320x8x128xi32, #tpu.memory_space<hbm>> -> memref<1x8x128xi32, #tpu.memory_space<hbm>>
        %dma_wait3A_112 = tpu.memref_squeeze %dma_wait3A_111 : memref<1x8x128xi32, #tpu.memory_space<hbm>> -> memref<8x128xi32, #tpu.memory_space<hbm>>
        %dma_wait3A_113 = arith.constant 0 : i32
        %dma_wait3A_114 = arith.constant 0 : i32
        %dma_wait3A_115 = tpu.memref_slice %arg7[%dma_wait3A_104, %dma_wait3A_113, %dma_wait3A_114] : memref<2x8x128xi32, #tpu.memory_space<vmem>> -> memref<1x8x128xi32, #tpu.memory_space<vmem>>
        %dma_wait3A_116 = tpu.memref_squeeze %dma_wait3A_115 : memref<1x8x128xi32, #tpu.memory_space<vmem>> -> memref<8x128xi32, #tpu.memory_space<vmem>>
        %dma_wait3A_117 = arith.constant 0 : i32
        %dma_wait3A_118 = arith.constant 0 : i32
        %dma_wait3A_119 = tpu.memref_slice %arg2[%dma_wait3A, %dma_wait3A_117, %dma_wait3A_118] : memref<320x8x128xi32, #tpu.memory_space<hbm>> -> memref<1x8x128xi32, #tpu.memory_space<hbm>>
        %dma_wait3A_120 = tpu.memref_squeeze %dma_wait3A_119 : memref<1x8x128xi32, #tpu.memory_space<hbm>> -> memref<8x128xi32, #tpu.memory_space<hbm>>
        tpu.wait_dma2 semaphore(%arg14 : memref<!tpu.dma_semaphore, #tpu.memory_space<semaphore_mem>>) src(%dma_wait3A_120 : memref<8x128xi32, #tpu.memory_space<hbm>>) dst(%dma_wait3A_116 : memref<8x128xi32, #tpu.memory_space<vmem>>)
        %dma_wait3A_121 = arith.constant 0 : i32
        %dma_wait3A_122 = arith.constant 0 : i32
        %dma_wait3A_123 = arith.constant 0 : i32
        %dma_wait3A_124 = arith.constant 0 : i32
        %dma_wait3A_125 = tpu.memref_slice %arg8[%dma_wait3A_122, %dma_wait3A_123, %dma_wait3A_124] : memref<2x8x128xi32, #tpu.memory_space<vmem>> -> memref<1x8x128xi32, #tpu.memory_space<vmem>>
        %dma_wait3A_126 = tpu.memref_squeeze %dma_wait3A_125 : memref<1x8x128xi32, #tpu.memory_space<vmem>> -> memref<8x128xi32, #tpu.memory_space<vmem>>
        %dma_wait3A_127 = arith.constant 0 : i32
        %dma_wait3A_128 = arith.constant 0 : i32
        %dma_wait3A_129 = tpu.memref_slice %arg3[%dma_wait3A_121, %dma_wait3A_127, %dma_wait3A_128] : memref<320x8x128xi32, #tpu.memory_space<hbm>> -> memref<1x8x128xi32, #tpu.memory_space<hbm>>
        %dma_wait3A_130 = tpu.memref_squeeze %dma_wait3A_129 : memref<1x8x128xi32, #tpu.memory_space<hbm>> -> memref<8x128xi32, #tpu.memory_space<hbm>>
        %dma_wait3A_131 = arith.constant 0 : i32
        %dma_wait3A_132 = arith.constant 0 : i32
        %dma_wait3A_133 = tpu.memref_slice %arg8[%dma_wait3A_122, %dma_wait3A_131, %dma_wait3A_132] : memref<2x8x128xi32, #tpu.memory_space<vmem>> -> memref<1x8x128xi32, #tpu.memory_space<vmem>>
        %dma_wait3A_134 = tpu.memref_squeeze %dma_wait3A_133 : memref<1x8x128xi32, #tpu.memory_space<vmem>> -> memref<8x128xi32, #tpu.memory_space<vmem>>
        %dma_wait3A_135 = arith.constant 0 : i32
        %dma_wait3A_136 = arith.constant 0 : i32
        %dma_wait3A_137 = tpu.memref_slice %arg3[%dma_wait3A_121, %dma_wait3A_135, %dma_wait3A_136] : memref<320x8x128xi32, #tpu.memory_space<hbm>> -> memref<1x8x128xi32, #tpu.memory_space<hbm>>
        %dma_wait3A_138 = tpu.memref_squeeze %dma_wait3A_137 : memref<1x8x128xi32, #tpu.memory_space<hbm>> -> memref<8x128xi32, #tpu.memory_space<hbm>>
        tpu.wait_dma2 semaphore(%arg16 : memref<!tpu.dma_semaphore, #tpu.memory_space<semaphore_mem>>) src(%dma_wait3A_138 : memref<8x128xi32, #tpu.memory_space<hbm>>) dst(%dma_wait3A_134 : memref<8x128xi32, #tpu.memory_space<vmem>>)
      } else {
      }
      %eq3A_74 = arith.constant 1 : i32
      %eq3A_75 = arith.cmpi eq, %select_n3A_68, %eq3A_74 : i32
      %convert_element_type3A_76 = arith.extui %eq3A_75 : i1 to i32
      %cond3A_77 = arith.constant 0 : i32
      %cond3A_78 = arith.cmpi ne, %convert_element_type3A_76, %cond3A_77 : i32
      scf.if %cond3A_78 {
        %dma_wait3A = arith.constant 0 : i32
        %dma_wait3A_104 = arith.constant 1 : i32
        %dma_wait3A_105 = arith.constant 0 : i32
        %dma_wait3A_106 = arith.constant 0 : i32
        %dma_wait3A_107 = tpu.memref_slice %arg7[%dma_wait3A_104, %dma_wait3A_105, %dma_wait3A_106] : memref<2x8x128xi32, #tpu.memory_space<vmem>> -> memref<1x8x128xi32, #tpu.memory_space<vmem>>
        %dma_wait3A_108 = tpu.memref_squeeze %dma_wait3A_107 : memref<1x8x128xi32, #tpu.memory_space<vmem>> -> memref<8x128xi32, #tpu.memory_space<vmem>>
        %dma_wait3A_109 = arith.constant 0 : i32
        %dma_wait3A_110 = arith.constant 0 : i32
        %dma_wait3A_111 = tpu.memref_slice %arg2[%dma_wait3A, %dma_wait3A_109, %dma_wait3A_110] : memref<320x8x128xi32, #tpu.memory_space<hbm>> -> memref<1x8x128xi32, #tpu.memory_space<hbm>>
        %dma_wait3A_112 = tpu.memref_squeeze %dma_wait3A_111 : memref<1x8x128xi32, #tpu.memory_space<hbm>> -> memref<8x128xi32, #tpu.memory_space<hbm>>
        %dma_wait3A_113 = arith.constant 0 : i32
        %dma_wait3A_114 = arith.constant 0 : i32
        %dma_wait3A_115 = tpu.memref_slice %arg7[%dma_wait3A_104, %dma_wait3A_113, %dma_wait3A_114] : memref<2x8x128xi32, #tpu.memory_space<vmem>> -> memref<1x8x128xi32, #tpu.memory_space<vmem>>
        %dma_wait3A_116 = tpu.memref_squeeze %dma_wait3A_115 : memref<1x8x128xi32, #tpu.memory_space<vmem>> -> memref<8x128xi32, #tpu.memory_space<vmem>>
        %dma_wait3A_117 = arith.constant 0 : i32
        %dma_wait3A_118 = arith.constant 0 : i32
        %dma_wait3A_119 = tpu.memref_slice %arg2[%dma_wait3A, %dma_wait3A_117, %dma_wait3A_118] : memref<320x8x128xi32, #tpu.memory_space<hbm>> -> memref<1x8x128xi32, #tpu.memory_space<hbm>>
        %dma_wait3A_120 = tpu.memref_squeeze %dma_wait3A_119 : memref<1x8x128xi32, #tpu.memory_space<hbm>> -> memref<8x128xi32, #tpu.memory_space<hbm>>
        tpu.wait_dma2 semaphore(%arg15 : memref<!tpu.dma_semaphore, #tpu.memory_space<semaphore_mem>>) src(%dma_wait3A_120 : memref<8x128xi32, #tpu.memory_space<hbm>>) dst(%dma_wait3A_116 : memref<8x128xi32, #tpu.memory_space<vmem>>)
        %dma_wait3A_121 = arith.constant 0 : i32
        %dma_wait3A_122 = arith.constant 1 : i32
        %dma_wait3A_123 = arith.constant 0 : i32
        %dma_wait3A_124 = arith.constant 0 : i32
        %dma_wait3A_125 = tpu.memref_slice %arg8[%dma_wait3A_122, %dma_wait3A_123, %dma_wait3A_124] : memref<2x8x128xi32, #tpu.memory_space<vmem>> -> memref<1x8x128xi32, #tpu.memory_space<vmem>>
        %dma_wait3A_126 = tpu.memref_squeeze %dma_wait3A_125 : memref<1x8x128xi32, #tpu.memory_space<vmem>> -> memref<8x128xi32, #tpu.memory_space<vmem>>
        %dma_wait3A_127 = arith.constant 0 : i32
        %dma_wait3A_128 = arith.constant 0 : i32
        %dma_wait3A_129 = tpu.memref_slice %arg3[%dma_wait3A_121, %dma_wait3A_127, %dma_wait3A_128] : memref<320x8x128xi32, #tpu.memory_space<hbm>> -> memref<1x8x128xi32, #tpu.memory_space<hbm>>
        %dma_wait3A_130 = tpu.memref_squeeze %dma_wait3A_129 : memref<1x8x128xi32, #tpu.memory_space<hbm>> -> memref<8x128xi32, #tpu.memory_space<hbm>>
        %dma_wait3A_131 = arith.constant 0 : i32
        %dma_wait3A_132 = arith.constant 0 : i32
        %dma_wait3A_133 = tpu.memref_slice %arg8[%dma_wait3A_122, %dma_wait3A_131, %dma_wait3A_132] : memref<2x8x128xi32, #tpu.memory_space<vmem>> -> memref<1x8x128xi32, #tpu.memory_space<vmem>>
        %dma_wait3A_134 = tpu.memref_squeeze %dma_wait3A_133 : memref<1x8x128xi32, #tpu.memory_space<vmem>> -> memref<8x128xi32, #tpu.memory_space<vmem>>
        %dma_wait3A_135 = arith.constant 0 : i32
        %dma_wait3A_136 = arith.constant 0 : i32
        %dma_wait3A_137 = tpu.memref_slice %arg3[%dma_wait3A_121, %dma_wait3A_135, %dma_wait3A_136] : memref<320x8x128xi32, #tpu.memory_space<hbm>> -> memref<1x8x128xi32, #tpu.memory_space<hbm>>
        %dma_wait3A_138 = tpu.memref_squeeze %dma_wait3A_137 : memref<1x8x128xi32, #tpu.memory_space<hbm>> -> memref<8x128xi32, #tpu.memory_space<hbm>>
        tpu.wait_dma2 semaphore(%arg17 : memref<!tpu.dma_semaphore, #tpu.memory_space<semaphore_mem>>) src(%dma_wait3A_138 : memref<8x128xi32, #tpu.memory_space<hbm>>) dst(%dma_wait3A_134 : memref<8x128xi32, #tpu.memory_space<vmem>>)
      } else {
      }
      %dma_start3A_79 = arith.constant 0 : i32
      %dma_start3A_80 = arith.constant 0 : i32
      %dma_start3A_81 = tpu.memref_slice %arg7[%select_n3A_68, %dma_start3A_79, %dma_start3A_80] : memref<2x8x128xi32, #tpu.memory_space<vmem>> -> memref<1x1x128xi32, #tpu.memory_space<vmem>>
      %dma_start3A_82 = tpu.memref_squeeze %dma_start3A_81 : memref<1x1x128xi32, #tpu.memory_space<vmem>> -> memref<128xi32, #tpu.memory_space<vmem>>
      %dma_start3A_83 = arith.constant 0 : i32
      %dma_start3A_84 = arith.constant 0 : i32
      %dma_start3A_85 = tpu.memref_slice %arg4[%dma_start3A_83, %dma_start3A_84] : memref<10240x128xf32, #tpu.memory_space<hbm>> -> memref<10240x128xf32, #tpu.memory_space<hbm>>
      tpu.enqueue_indirect_dma source(%dma_start3A_85 : memref<10240x128xf32, #tpu.memory_space<hbm>>) target(%arg9 : memref<128x128xf32, #tpu.memory_space<vmem>>) offsets(%dma_start3A_82 : memref<128xi32, #tpu.memory_space<vmem>>) semaphore(%arg12 : memref<!tpu.dma_semaphore, #tpu.memory_space<semaphore_mem>>)
      %dma_start3A_86 = arith.constant 1 : i32
      %dma_start3A_87 = arith.constant 0 : i32
      %dma_start3A_88 = tpu.memref_slice %arg7[%select_n3A_68, %dma_start3A_86, %dma_start3A_87] : memref<2x8x128xi32, #tpu.memory_space<vmem>> -> memref<1x1x128xi32, #tpu.memory_space<vmem>>
      %dma_start3A_89 = tpu.memref_squeeze %dma_start3A_88 : memref<1x1x128xi32, #tpu.memory_space<vmem>> -> memref<128xi32, #tpu.memory_space<vmem>>
      %dma_start3A_90 = arith.constant 0 : i32
      %dma_start3A_91 = arith.constant 0 : i32
      %dma_start3A_92 = tpu.memref_slice %arg4[%dma_start3A_90, %dma_start3A_91] : memref<10240x128xf32, #tpu.memory_space<hbm>> -> memref<10240x128xf32, #tpu.memory_space<hbm>>
      tpu.enqueue_indirect_dma source(%dma_start3A_92 : memref<10240x128xf32, #tpu.memory_space<hbm>>) target(%arg10 : memref<128x128xf32, #tpu.memory_space<vmem>>) offsets(%dma_start3A_89 : memref<128xi32, #tpu.memory_space<vmem>>) semaphore(%arg13 : memref<!tpu.dma_semaphore, #tpu.memory_space<semaphore_mem>>)
      %scan3A = arith.constant 0 : i32
      %scan3A_93 = arith.constant 0 : i32
      %scan3A_94 = arith.constant 4 : i32
      %scan3A_95 = arith.addi %scan3A_93, %scan3A_94 : i32
      %scan3A_96 = arith.constant 1 : i32
      scf.for %scan3A_104 = %scan3A_93 to %scan3A_95 step %scan3A_96  : i32 {
        %mul3A_105 = arith.constant 2 : i32
        %mul3A_106 = arith.muli %mul3A_105, %scan3A_104 : i32
        %add3A_107 = arith.constant 0 : i32
        %add3A_108 = arith.addi %mul3A_106, %add3A_107 : i32
        %dma_wait3A = arith.constant 0 : i32
        %dma_wait3A_109 = arith.constant 0 : i32
        %dma_wait3A_110 = tpu.memref_slice %arg4[%dma_wait3A, %dma_wait3A_109] : memref<10240x128xf32, #tpu.memory_space<hbm>> -> memref<128x128xf32, #tpu.memory_space<hbm>>
        %dma_wait3A_111 = arith.constant 0 : i32
        %dma_wait3A_112 = arith.constant 0 : i32
        %dma_wait3A_113 = tpu.memref_slice %arg4[%dma_wait3A_111, %dma_wait3A_112] : memref<10240x128xf32, #tpu.memory_space<hbm>> -> memref<128x128xf32, #tpu.memory_space<hbm>>
        tpu.wait_dma2 semaphore(%arg12 : memref<!tpu.dma_semaphore, #tpu.memory_space<semaphore_mem>>) src(%dma_wait3A_113 : memref<128x128xf32, #tpu.memory_space<hbm>>) dst(%arg9 : memref<128x128xf32, #tpu.memory_space<vmem>>)
        "tpu.region"() ({
          %run_scoped3A = tpu.sem_alloc : memref<!tpu.dma_semaphore, #tpu.memory_space<semaphore_mem>>
          %dma_start3A_138 = arith.constant 0 : i32
          %dma_start3A_139 = tpu.memref_slice %arg8[%select_n3A_68, %add3A_108, %dma_start3A_138] : memref<2x8x128xi32, #tpu.memory_space<vmem>> -> memref<1x1x128xi32, #tpu.memory_space<vmem>>
          %dma_start3A_140 = tpu.memref_squeeze %dma_start3A_139 : memref<1x1x128xi32, #tpu.memory_space<vmem>> -> memref<128xi32, #tpu.memory_space<vmem>>
          %dma_start3A_141 = arith.constant 0 : i32
          %dma_start3A_142 = arith.constant 0 : i32
          %dma_start3A_143 = tpu.memref_slice %arg11[%dma_start3A_141, %dma_start3A_142] : memref<10240x128xf32, #tpu.memory_space<vmem_shared>> -> memref<10240x128xf32, #tpu.memory_space<vmem_shared>>
          tpu.enqueue_indirect_dma source(%arg9 : memref<128x128xf32, #tpu.memory_space<vmem>>) target(%dma_start3A_143 : memref<10240x128xf32, #tpu.memory_space<vmem_shared>>) offsets(%dma_start3A_140 : memref<128xi32, #tpu.memory_space<vmem>>) semaphore(%run_scoped3A : memref<!tpu.dma_semaphore, #tpu.memory_space<semaphore_mem>>) {add = true}
          %dma_wait3A_144 = arith.constant 0 : i32
          %dma_wait3A_145 = tpu.memref_slice %arg8[%select_n3A_68, %add3A_108, %dma_wait3A_144] : memref<2x8x128xi32, #tpu.memory_space<vmem>> -> memref<1x1x128xi32, #tpu.memory_space<vmem>>
          %dma_wait3A_146 = tpu.memref_squeeze %dma_wait3A_145 : memref<1x1x128xi32, #tpu.memory_space<vmem>> -> memref<128xi32, #tpu.memory_space<vmem>>
          %dma_wait3A_147 = arith.constant 0 : i32
          %dma_wait3A_148 = arith.constant 0 : i32
          %dma_wait3A_149 = tpu.memref_slice %arg11[%dma_wait3A_147, %dma_wait3A_148] : memref<10240x128xf32, #tpu.memory_space<vmem_shared>> -> memref<10240x128xf32, #tpu.memory_space<vmem_shared>>
          tpu.wait_indirect_dma semaphore(%run_scoped3A : memref<!tpu.dma_semaphore, #tpu.memory_space<semaphore_mem>>) src(%arg9 : memref<128x128xf32, #tpu.memory_space<vmem>>) dst(%dma_wait3A_149 : memref<10240x128xf32, #tpu.memory_space<vmem_shared>>)
          tpu.yield
        }) : () -> ()
        %add3A_114 = arith.constant 2 : i32
        %add3A_115 = arith.addi %add3A_108, %add3A_114 : i32
        %lt3A_116 = arith.constant 8 : i32
        %lt3A_117 = arith.cmpi slt, %add3A_115, %lt3A_116 : i32
        %convert_element_type3A_118 = arith.extui %lt3A_117 : i1 to i32
        %cond3A_119 = arith.constant 0 : i32
        %cond3A_120 = arith.cmpi ne, %convert_element_type3A_118, %cond3A_119 : i32
        scf.if %cond3A_120 {
          %add3A_138 = arith.constant 2 : i32
          %add3A_139 = arith.addi %add3A_108, %add3A_138 : i32
          %min3A = arith.constant 7 : i32
          %min3A_140 = arith.minsi %add3A_139, %min3A : i32
          %dma_start3A_141 = arith.constant 0 : i32
          %dma_start3A_142 = tpu.memref_slice %arg7[%select_n3A_68, %min3A_140, %dma_start3A_141] : memref<2x8x128xi32, #tpu.memory_space<vmem>> -> memref<1x1x128xi32, #tpu.memory_space<vmem>>
          %dma_start3A_143 = tpu.memref_squeeze %dma_start3A_142 : memref<1x1x128xi32, #tpu.memory_space<vmem>> -> memref<128xi32, #tpu.memory_space<vmem>>
          %dma_start3A_144 = arith.constant 0 : i32
          %dma_start3A_145 = arith.constant 0 : i32
          %dma_start3A_146 = tpu.memref_slice %arg4[%dma_start3A_144, %dma_start3A_145] : memref<10240x128xf32, #tpu.memory_space<hbm>> -> memref<10240x128xf32, #tpu.memory_space<hbm>>
          tpu.enqueue_indirect_dma source(%dma_start3A_146 : memref<10240x128xf32, #tpu.memory_space<hbm>>) target(%arg9 : memref<128x128xf32, #tpu.memory_space<vmem>>) offsets(%dma_start3A_143 : memref<128xi32, #tpu.memory_space<vmem>>) semaphore(%arg12 : memref<!tpu.dma_semaphore, #tpu.memory_space<semaphore_mem>>)
        } else {
        }
        %mul3A_121 = arith.constant 2 : i32
        %mul3A_122 = arith.muli %mul3A_121, %scan3A_104 : i32
        %add3A_123 = arith.constant 1 : i32
        %add3A_124 = arith.addi %mul3A_122, %add3A_123 : i32
        %dma_wait3A_125 = arith.constant 0 : i32
        %dma_wait3A_126 = arith.constant 0 : i32
        %dma_wait3A_127 = tpu.memref_slice %arg4[%dma_wait3A_125, %dma_wait3A_126] : memref<10240x128xf32, #tpu.memory_space<hbm>> -> memref<128x128xf32, #tpu.memory_space<hbm>>
        %dma_wait3A_128 = arith.constant 0 : i32
        %dma_wait3A_129 = arith.constant 0 : i32
        %dma_wait3A_130 = tpu.memref_slice %arg4[%dma_wait3A_128, %dma_wait3A_129] : memref<10240x128xf32, #tpu.memory_space<hbm>> -> memref<128x128xf32, #tpu.memory_space<hbm>>
        tpu.wait_dma2 semaphore(%arg13 : memref<!tpu.dma_semaphore, #tpu.memory_space<semaphore_mem>>) src(%dma_wait3A_130 : memref<128x128xf32, #tpu.memory_space<hbm>>) dst(%arg10 : memref<128x128xf32, #tpu.memory_space<vmem>>)
        "tpu.region"() ({
          %run_scoped3A = tpu.sem_alloc : memref<!tpu.dma_semaphore, #tpu.memory_space<semaphore_mem>>
          %dma_start3A_138 = arith.constant 0 : i32
          %dma_start3A_139 = tpu.memref_slice %arg8[%select_n3A_68, %add3A_124, %dma_start3A_138] : memref<2x8x128xi32, #tpu.memory_space<vmem>> -> memref<1x1x128xi32, #tpu.memory_space<vmem>>
          %dma_start3A_140 = tpu.memref_squeeze %dma_start3A_139 : memref<1x1x128xi32, #tpu.memory_space<vmem>> -> memref<128xi32, #tpu.memory_space<vmem>>
          %dma_start3A_141 = arith.constant 0 : i32
          %dma_start3A_142 = arith.constant 0 : i32
          %dma_start3A_143 = tpu.memref_slice %arg11[%dma_start3A_141, %dma_start3A_142] : memref<10240x128xf32, #tpu.memory_space<vmem_shared>> -> memref<10240x128xf32, #tpu.memory_space<vmem_shared>>
          tpu.enqueue_indirect_dma source(%arg10 : memref<128x128xf32, #tpu.memory_space<vmem>>) target(%dma_start3A_143 : memref<10240x128xf32, #tpu.memory_space<vmem_shared>>) offsets(%dma_start3A_140 : memref<128xi32, #tpu.memory_space<vmem>>) semaphore(%run_scoped3A : memref<!tpu.dma_semaphore, #tpu.memory_space<semaphore_mem>>) {add = true}
          %dma_wait3A_144 = arith.constant 0 : i32
          %dma_wait3A_145 = tpu.memref_slice %arg8[%select_n3A_68, %add3A_124, %dma_wait3A_144] : memref<2x8x128xi32, #tpu.memory_space<vmem>> -> memref<1x1x128xi32, #tpu.memory_space<vmem>>
          %dma_wait3A_146 = tpu.memref_squeeze %dma_wait3A_145 : memref<1x1x128xi32, #tpu.memory_space<vmem>> -> memref<128xi32, #tpu.memory_space<vmem>>
          %dma_wait3A_147 = arith.constant 0 : i32
          %dma_wait3A_148 = arith.constant 0 : i32
          %dma_wait3A_149 = tpu.memref_slice %arg11[%dma_wait3A_147, %dma_wait3A_148] : memref<10240x128xf32, #tpu.memory_space<vmem_shared>> -> memref<10240x128xf32, #tpu.memory_space<vmem_shared>>
          tpu.wait_indirect_dma semaphore(%run_scoped3A : memref<!tpu.dma_semaphore, #tpu.memory_space<semaphore_mem>>) src(%arg10 : memref<128x128xf32, #tpu.memory_space<vmem>>) dst(%dma_wait3A_149 : memref<10240x128xf32, #tpu.memory_space<vmem_shared>>)
          tpu.yield
        }) : () -> ()
        %add3A_131 = arith.constant 2 : i32
        %add3A_132 = arith.addi %add3A_124, %add3A_131 : i32
        %lt3A_133 = arith.constant 8 : i32
        %lt3A_134 = arith.cmpi slt, %add3A_132, %lt3A_133 : i32
        %convert_element_type3A_135 = arith.extui %lt3A_134 : i1 to i32
        %cond3A_136 = arith.constant 0 : i32
        %cond3A_137 = arith.cmpi ne, %convert_element_type3A_135, %cond3A_136 : i32
        scf.if %cond3A_137 {
          %add3A_138 = arith.constant 2 : i32
          %add3A_139 = arith.addi %add3A_124, %add3A_138 : i32
          %min3A = arith.constant 7 : i32
          %min3A_140 = arith.minsi %add3A_139, %min3A : i32
          %dma_start3A_141 = arith.constant 0 : i32
          %dma_start3A_142 = tpu.memref_slice %arg7[%select_n3A_68, %min3A_140, %dma_start3A_141] : memref<2x8x128xi32, #tpu.memory_space<vmem>> -> memref<1x1x128xi32, #tpu.memory_space<vmem>>
          %dma_start3A_143 = tpu.memref_squeeze %dma_start3A_142 : memref<1x1x128xi32, #tpu.memory_space<vmem>> -> memref<128xi32, #tpu.memory_space<vmem>>
          %dma_start3A_144 = arith.constant 0 : i32
          %dma_start3A_145 = arith.constant 0 : i32
          %dma_start3A_146 = tpu.memref_slice %arg4[%dma_start3A_144, %dma_start3A_145] : memref<10240x128xf32, #tpu.memory_space<hbm>> -> memref<10240x128xf32, #tpu.memory_space<hbm>>
          tpu.enqueue_indirect_dma source(%dma_start3A_146 : memref<10240x128xf32, #tpu.memory_space<hbm>>) target(%arg10 : memref<128x128xf32, #tpu.memory_space<vmem>>) offsets(%dma_start3A_143 : memref<128xi32, #tpu.memory_space<vmem>>) semaphore(%arg13 : memref<!tpu.dma_semaphore, #tpu.memory_space<semaphore_mem>>)
        } else {
        }
      }
      %scan3A_97 = arith.constant 4 : i32
      %add3A_98 = arith.constant 2 : i32
      %add3A_99 = arith.addi %while3A_56, %add3A_98 : i32
      %lt3A_100 = arith.cmpi slt, %add3A_99, %select_n3A_10 : i32
      %convert_element_type3A_101 = arith.extui %lt3A_100 : i1 to i32
      %cond3A_102 = arith.constant 0 : i32
      %cond3A_103 = arith.cmpi ne, %convert_element_type3A_101, %cond3A_102 : i32
      scf.if %cond3A_103 {
        %add3A_104 = arith.constant 2 : i32
        %add3A_105 = arith.addi %while3A_56, %add3A_104 : i32
        %sub3A = arith.constant 1 : i32
        %sub3A_106 = arith.subi %select_n3A_10, %sub3A : i32
        %min3A = arith.minsi %add3A_105, %sub3A_106 : i32
        %add3A_107 = arith.addi %select_n3A, %min3A : i32
        %eq3A_108 = arith.constant 0 : i32
        %eq3A_109 = arith.cmpi eq, %select_n3A_68, %eq3A_108 : i32
        %convert_element_type3A_110 = arith.extui %eq3A_109 : i1 to i32
        %cond3A_111 = arith.constant 0 : i32
        %cond3A_112 = arith.cmpi ne, %convert_element_type3A_110, %cond3A_111 : i32
        scf.if %cond3A_112 {
          %dma_start3A_118 = arith.constant 0 : i32
          %dma_start3A_119 = arith.constant 0 : i32
          %dma_start3A_120 = arith.constant 0 : i32
          %dma_start3A_121 = tpu.memref_slice %arg7[%dma_start3A_118, %dma_start3A_119, %dma_start3A_120] : memref<2x8x128xi32, #tpu.memory_space<vmem>> -> memref<1x8x128xi32, #tpu.memory_space<vmem>>
          %dma_start3A_122 = tpu.memref_squeeze %dma_start3A_121 : memref<1x8x128xi32, #tpu.memory_space<vmem>> -> memref<8x128xi32, #tpu.memory_space<vmem>>
          %dma_start3A_123 = arith.constant 0 : i32
          %dma_start3A_124 = arith.constant 0 : i32
          %dma_start3A_125 = tpu.memref_slice %arg2[%add3A_107, %dma_start3A_123, %dma_start3A_124] : memref<320x8x128xi32, #tpu.memory_space<hbm>> -> memref<1x8x128xi32, #tpu.memory_space<hbm>>
          %dma_start3A_126 = tpu.memref_squeeze %dma_start3A_125 : memref<1x8x128xi32, #tpu.memory_space<hbm>> -> memref<8x128xi32, #tpu.memory_space<hbm>>
          %dma_start3A_127 = arith.constant 0 : i32
          %dma_start3A_128 = arith.constant 0 : i32
          %dma_start3A_129 = tpu.memref_slice %arg7[%dma_start3A_118, %dma_start3A_127, %dma_start3A_128] : memref<2x8x128xi32, #tpu.memory_space<vmem>> -> memref<1x8x128xi32, #tpu.memory_space<vmem>>
          %dma_start3A_130 = tpu.memref_squeeze %dma_start3A_129 : memref<1x8x128xi32, #tpu.memory_space<vmem>> -> memref<8x128xi32, #tpu.memory_space<vmem>>
          %dma_start3A_131 = arith.constant 0 : i32
          %dma_start3A_132 = arith.constant 0 : i32
          %dma_start3A_133 = tpu.memref_slice %arg2[%add3A_107, %dma_start3A_131, %dma_start3A_132] : memref<320x8x128xi32, #tpu.memory_space<hbm>> -> memref<1x8x128xi32, #tpu.memory_space<hbm>>
          %dma_start3A_134 = tpu.memref_squeeze %dma_start3A_133 : memref<1x8x128xi32, #tpu.memory_space<hbm>> -> memref<8x128xi32, #tpu.memory_space<hbm>>
          tpu.enqueue_dma source(%dma_start3A_134 : memref<8x128xi32, #tpu.memory_space<hbm>>) target(%dma_start3A_130 : memref<8x128xi32, #tpu.memory_space<vmem>>) target_semaphore(%arg14 : memref<!tpu.dma_semaphore, #tpu.memory_space<semaphore_mem>>)
          %dma_start3A_135 = arith.constant 0 : i32
          %dma_start3A_136 = arith.constant 0 : i32
          %dma_start3A_137 = arith.constant 0 : i32
          %dma_start3A_138 = tpu.memref_slice %arg8[%dma_start3A_135, %dma_start3A_136, %dma_start3A_137] : memref<2x8x128xi32, #tpu.memory_space<vmem>> -> memref<1x8x128xi32, #tpu.memory_space<vmem>>
          %dma_start3A_139 = tpu.memref_squeeze %dma_start3A_138 : memref<1x8x128xi32, #tpu.memory_space<vmem>> -> memref<8x128xi32, #tpu.memory_space<vmem>>
          %dma_start3A_140 = arith.constant 0 : i32
          %dma_start3A_141 = arith.constant 0 : i32
          %dma_start3A_142 = tpu.memref_slice %arg3[%add3A_107, %dma_start3A_140, %dma_start3A_141] : memref<320x8x128xi32, #tpu.memory_space<hbm>> -> memref<1x8x128xi32, #tpu.memory_space<hbm>>
          %dma_start3A_143 = tpu.memref_squeeze %dma_start3A_142 : memref<1x8x128xi32, #tpu.memory_space<hbm>> -> memref<8x128xi32, #tpu.memory_space<hbm>>
          %dma_start3A_144 = arith.constant 0 : i32
          %dma_start3A_145 = arith.constant 0 : i32
          %dma_start3A_146 = tpu.memref_slice %arg8[%dma_start3A_135, %dma_start3A_144, %dma_start3A_145] : memref<2x8x128xi32, #tpu.memory_space<vmem>> -> memref<1x8x128xi32, #tpu.memory_space<vmem>>
          %dma_start3A_147 = tpu.memref_squeeze %dma_start3A_146 : memref<1x8x128xi32, #tpu.memory_space<vmem>> -> memref<8x128xi32, #tpu.memory_space<vmem>>
          %dma_start3A_148 = arith.constant 0 : i32
          %dma_start3A_149 = arith.constant 0 : i32
          %dma_start3A_150 = tpu.memref_slice %arg3[%add3A_107, %dma_start3A_148, %dma_start3A_149] : memref<320x8x128xi32, #tpu.memory_space<hbm>> -> memref<1x8x128xi32, #tpu.memory_space<hbm>>
          %dma_start3A_151 = tpu.memref_squeeze %dma_start3A_150 : memref<1x8x128xi32, #tpu.memory_space<hbm>> -> memref<8x128xi32, #tpu.memory_space<hbm>>
          tpu.enqueue_dma source(%dma_start3A_151 : memref<8x128xi32, #tpu.memory_space<hbm>>) target(%dma_start3A_147 : memref<8x128xi32, #tpu.memory_space<vmem>>) target_semaphore(%arg16 : memref<!tpu.dma_semaphore, #tpu.memory_space<semaphore_mem>>)
        } else {
        }
        %eq3A_113 = arith.constant 1 : i32
        %eq3A_114 = arith.cmpi eq, %select_n3A_68, %eq3A_113 : i32
        %convert_element_type3A_115 = arith.extui %eq3A_114 : i1 to i32
        %cond3A_116 = arith.constant 0 : i32
        %cond3A_117 = arith.cmpi ne, %convert_element_type3A_115, %cond3A_116 : i32
        scf.if %cond3A_117 {
          %dma_start3A_118 = arith.constant 1 : i32
          %dma_start3A_119 = arith.constant 0 : i32
          %dma_start3A_120 = arith.constant 0 : i32
          %dma_start3A_121 = tpu.memref_slice %arg7[%dma_start3A_118, %dma_start3A_119, %dma_start3A_120] : memref<2x8x128xi32, #tpu.memory_space<vmem>> -> memref<1x8x128xi32, #tpu.memory_space<vmem>>
          %dma_start3A_122 = tpu.memref_squeeze %dma_start3A_121 : memref<1x8x128xi32, #tpu.memory_space<vmem>> -> memref<8x128xi32, #tpu.memory_space<vmem>>
          %dma_start3A_123 = arith.constant 0 : i32
          %dma_start3A_124 = arith.constant 0 : i32
          %dma_start3A_125 = tpu.memref_slice %arg2[%add3A_107, %dma_start3A_123, %dma_start3A_124] : memref<320x8x128xi32, #tpu.memory_space<hbm>> -> memref<1x8x128xi32, #tpu.memory_space<hbm>>
          %dma_start3A_126 = tpu.memref_squeeze %dma_start3A_125 : memref<1x8x128xi32, #tpu.memory_space<hbm>> -> memref<8x128xi32, #tpu.memory_space<hbm>>
          %dma_start3A_127 = arith.constant 0 : i32
          %dma_start3A_128 = arith.constant 0 : i32
          %dma_start3A_129 = tpu.memref_slice %arg7[%dma_start3A_118, %dma_start3A_127, %dma_start3A_128] : memref<2x8x128xi32, #tpu.memory_space<vmem>> -> memref<1x8x128xi32, #tpu.memory_space<vmem>>
          %dma_start3A_130 = tpu.memref_squeeze %dma_start3A_129 : memref<1x8x128xi32, #tpu.memory_space<vmem>> -> memref<8x128xi32, #tpu.memory_space<vmem>>
          %dma_start3A_131 = arith.constant 0 : i32
          %dma_start3A_132 = arith.constant 0 : i32
          %dma_start3A_133 = tpu.memref_slice %arg2[%add3A_107, %dma_start3A_131, %dma_start3A_132] : memref<320x8x128xi32, #tpu.memory_space<hbm>> -> memref<1x8x128xi32, #tpu.memory_space<hbm>>
          %dma_start3A_134 = tpu.memref_squeeze %dma_start3A_133 : memref<1x8x128xi32, #tpu.memory_space<hbm>> -> memref<8x128xi32, #tpu.memory_space<hbm>>
          tpu.enqueue_dma source(%dma_start3A_134 : memref<8x128xi32, #tpu.memory_space<hbm>>) target(%dma_start3A_130 : memref<8x128xi32, #tpu.memory_space<vmem>>) target_semaphore(%arg15 : memref<!tpu.dma_semaphore, #tpu.memory_space<semaphore_mem>>)
          %dma_start3A_135 = arith.constant 1 : i32
          %dma_start3A_136 = arith.constant 0 : i32
          %dma_start3A_137 = arith.constant 0 : i32
          %dma_start3A_138 = tpu.memref_slice %arg8[%dma_start3A_135, %dma_start3A_136, %dma_start3A_137] : memref<2x8x128xi32, #tpu.memory_space<vmem>> -> memref<1x8x128xi32, #tpu.memory_space<vmem>>
          %dma_start3A_139 = tpu.memref_squeeze %dma_start3A_138 : memref<1x8x128xi32, #tpu.memory_space<vmem>> -> memref<8x128xi32, #tpu.memory_space<vmem>>
          %dma_start3A_140 = arith.constant 0 : i32
          %dma_start3A_141 = arith.constant 0 : i32
          %dma_start3A_142 = tpu.memref_slice %arg3[%add3A_107, %dma_start3A_140, %dma_start3A_141] : memref<320x8x128xi32, #tpu.memory_space<hbm>> -> memref<1x8x128xi32, #tpu.memory_space<hbm>>
          %dma_start3A_143 = tpu.memref_squeeze %dma_start3A_142 : memref<1x8x128xi32, #tpu.memory_space<hbm>> -> memref<8x128xi32, #tpu.memory_space<hbm>>
          %dma_start3A_144 = arith.constant 0 : i32
          %dma_start3A_145 = arith.constant 0 : i32
          %dma_start3A_146 = tpu.memref_slice %arg8[%dma_start3A_135, %dma_start3A_144, %dma_start3A_145] : memref<2x8x128xi32, #tpu.memory_space<vmem>> -> memref<1x8x128xi32, #tpu.memory_space<vmem>>
          %dma_start3A_147 = tpu.memref_squeeze %dma_start3A_146 : memref<1x8x128xi32, #tpu.memory_space<vmem>> -> memref<8x128xi32, #tpu.memory_space<vmem>>
          %dma_start3A_148 = arith.constant 0 : i32
          %dma_start3A_149 = arith.constant 0 : i32
          %dma_start3A_150 = tpu.memref_slice %arg3[%add3A_107, %dma_start3A_148, %dma_start3A_149] : memref<320x8x128xi32, #tpu.memory_space<hbm>> -> memref<1x8x128xi32, #tpu.memory_space<hbm>>
          %dma_start3A_151 = tpu.memref_squeeze %dma_start3A_150 : memref<1x8x128xi32, #tpu.memory_space<hbm>> -> memref<8x128xi32, #tpu.memory_space<hbm>>
          tpu.enqueue_dma source(%dma_start3A_151 : memref<8x128xi32, #tpu.memory_space<hbm>>) target(%dma_start3A_147 : memref<8x128xi32, #tpu.memory_space<vmem>>) target_semaphore(%arg17 : memref<!tpu.dma_semaphore, #tpu.memory_space<semaphore_mem>>)
        } else {
        }
      } else {
      }
    }
    %barrier3A_55 = arith.constant 0 : index
    tpu.barrier barrier_id(%barrier3A_55)
    "tpu.region"() ({
      %run_scoped3A = tpu.sem_alloc : memref<!tpu.dma_semaphore, #tpu.memory_space<semaphore_mem>>
      %dma_start3A_56 = arith.constant 0 : i32
      %dma_start3A_57 = tpu.memref_slice %arg6[%arg0, %multiple_of3A, %dma_start3A_56] : memref<2x10240x128xf32, #tpu.memory_space<hbm>> -> memref<1x640x128xf32, #tpu.memory_space<hbm>>
      %dma_start3A_58 = tpu.memref_squeeze %dma_start3A_57 : memref<1x640x128xf32, #tpu.memory_space<hbm>> -> memref<640x128xf32, #tpu.memory_space<hbm>>
      %dma_start3A_59 = arith.constant 0 : i32
      %dma_start3A_60 = tpu.memref_slice %arg11[%multiple_of3A, %dma_start3A_59] : memref<10240x128xf32, #tpu.memory_space<vmem_shared>> -> memref<640x128xf32, #tpu.memory_space<vmem_shared>>
      tpu.enqueue_dma source(%dma_start3A_60 : memref<640x128xf32, #tpu.memory_space<vmem_shared>>) target(%dma_start3A_58 : memref<640x128xf32, #tpu.memory_space<hbm>>) target_semaphore(%run_scoped3A : memref<!tpu.dma_semaphore, #tpu.memory_space<semaphore_mem>>)
      %dma_wait3A = arith.constant 0 : i32
      %dma_wait3A_61 = tpu.memref_slice %arg6[%arg0, %multiple_of3A, %dma_wait3A] : memref<2x10240x128xf32, #tpu.memory_space<hbm>> -> memref<1x640x128xf32, #tpu.memory_space<hbm>>
      %dma_wait3A_62 = tpu.memref_squeeze %dma_wait3A_61 : memref<1x640x128xf32, #tpu.memory_space<hbm>> -> memref<640x128xf32, #tpu.memory_space<hbm>>
      %dma_wait3A_63 = arith.constant 0 : i32
      %dma_wait3A_64 = tpu.memref_slice %arg11[%multiple_of3A, %dma_wait3A_63] : memref<10240x128xf32, #tpu.memory_space<vmem_shared>> -> memref<640x128xf32, #tpu.memory_space<vmem_shared>>
      tpu.wait_dma2 semaphore(%run_scoped3A : memref<!tpu.dma_semaphore, #tpu.memory_space<semaphore_mem>>) src(%dma_wait3A_64 : memref<640x128xf32, #tpu.memory_space<vmem_shared>>) dst(%dma_wait3A_62 : memref<640x128xf32, #tpu.memory_space<hbm>>)
      tpu.yield
    }) : () -> ()
    return
  }
}

module attributes {stable_mosaic.version = 14 : i64} {
  func.func @_tc1_body(%arg0: i32, %arg1: memref<1024x128xf32, #tpu.memory_space<vmem>>, %arg2: memref<32x8x128xf32, #tpu.memory_space<vmem>>, %arg3: memref<1024x128xf32, #tpu.memory_space<vmem>>) attributes {dimension_semantics = [#tpu.dimension_semantics<arbitrary>], iteration_bounds = array<i64: 10>, scalar_prefetch = 0 : i64, scratch_operands = 0 : i64, tpu.core_type = #tpu.core_type<tc>, window_params = [{transform_indices = @transform_0, window_bounds = array<i64: 1024, 128>}, {transform_indices = @transform_1, window_bounds = array<i64: 32, 8, 128>}, {transform_indices = @transform_2, window_bounds = array<i64: 1024, 128>}]} {
    %get3A = arith.constant 0 : index
    %get3A_0 = arith.constant 0 : index
    %get3A_1 = arith.constant 0 : index
    %get3A_2 = vector.load %arg2[%get3A, %get3A_0, %get3A_1] : memref<32x8x128xf32, #tpu.memory_space<vmem>>, vector<32x8x128xf32>
    %reduce_sum3A = arith.constant dense<0.000000e+00> : vector<8x128xf32>
    %reduce_sum3A_3 = vector.multi_reduction <add>, %get3A_2, %reduce_sum3A [0] : vector<32x8x128xf32> to vector<8x128xf32>
    %add3A = arith.constant 1.000000e+00 : f32
    %add3A_4 = vector.broadcast %add3A : f32 to vector<8x128xf32>
    %add3A_5 = arith.addf %add3A_4, %reduce_sum3A_3 : vector<8x128xf32>
    %rsqrt3A = math.rsqrt %add3A_5 : vector<8x128xf32>
    %slice3A = vector.extract_strided_slice %rsqrt3A {offsets = [0, 0], sizes = [1, 128], strides = [1, 1]} : vector<8x128xf32> to vector<1x128xf32>
    %transpose3A = tpu.transpose %slice3A, [1, 0] : vector<1x128xf32> -> vector<128x1xf32>
    %get3A_6 = arith.constant 0 : index
    %get3A_7 = arith.constant 0 : index
    %get3A_8 = vector.load %arg1[%get3A_6, %get3A_7] : memref<1024x128xf32, #tpu.memory_space<vmem>>, vector<128x128xf32>
    %mul3A = vector.broadcast %transpose3A : vector<128x1xf32> to vector<128x128xf32>
    %mul3A_9 = arith.mulf %get3A_8, %mul3A : vector<128x128xf32>
    %swap3A = arith.constant 0 : index
    %swap3A_10 = arith.constant 0 : index
    %swap3A_11 = vector.load %arg3[%swap3A, %swap3A_10] : memref<1024x128xf32, #tpu.memory_space<vmem>>, vector<128x128xf32>
    tpu.vector_store %arg3[%swap3A, %swap3A_10], %mul3A_9 {strides = array<i32>} : memref<1024x128xf32, #tpu.memory_space<vmem>>, vector<128x128xf32>,
    %slice3A_12 = vector.extract_strided_slice %rsqrt3A {offsets = [1, 0], sizes = [1, 128], strides = [1, 1]} : vector<8x128xf32> to vector<1x128xf32>
    %transpose3A_13 = tpu.transpose %slice3A_12, [1, 0] : vector<1x128xf32> -> vector<128x1xf32>
    %get3A_14 = arith.constant 128 : index
    %get3A_15 = arith.constant 0 : index
    %get3A_16 = vector.load %arg1[%get3A_14, %get3A_15] : memref<1024x128xf32, #tpu.memory_space<vmem>>, vector<128x128xf32>
    %mul3A_17 = vector.broadcast %transpose3A_13 : vector<128x1xf32> to vector<128x128xf32>
    %mul3A_18 = arith.mulf %get3A_16, %mul3A_17 : vector<128x128xf32>
    %swap3A_19 = arith.constant 128 : index
    %swap3A_20 = arith.constant 0 : index
    %swap3A_21 = vector.load %arg3[%swap3A_19, %swap3A_20] : memref<1024x128xf32, #tpu.memory_space<vmem>>, vector<128x128xf32>
    tpu.vector_store %arg3[%swap3A_19, %swap3A_20], %mul3A_18 {strides = array<i32>} : memref<1024x128xf32, #tpu.memory_space<vmem>>, vector<128x128xf32>,
    %slice3A_22 = vector.extract_strided_slice %rsqrt3A {offsets = [2, 0], sizes = [1, 128], strides = [1, 1]} : vector<8x128xf32> to vector<1x128xf32>
    %transpose3A_23 = tpu.transpose %slice3A_22, [1, 0] : vector<1x128xf32> -> vector<128x1xf32>
    %get3A_24 = arith.constant 256 : index
    %get3A_25 = arith.constant 0 : index
    %get3A_26 = vector.load %arg1[%get3A_24, %get3A_25] : memref<1024x128xf32, #tpu.memory_space<vmem>>, vector<128x128xf32>
    %mul3A_27 = vector.broadcast %transpose3A_23 : vector<128x1xf32> to vector<128x128xf32>
    %mul3A_28 = arith.mulf %get3A_26, %mul3A_27 : vector<128x128xf32>
    %swap3A_29 = arith.constant 256 : index
    %swap3A_30 = arith.constant 0 : index
    %swap3A_31 = vector.load %arg3[%swap3A_29, %swap3A_30] : memref<1024x128xf32, #tpu.memory_space<vmem>>, vector<128x128xf32>
    tpu.vector_store %arg3[%swap3A_29, %swap3A_30], %mul3A_28 {strides = array<i32>} : memref<1024x128xf32, #tpu.memory_space<vmem>>, vector<128x128xf32>,
    %slice3A_32 = vector.extract_strided_slice %rsqrt3A {offsets = [3, 0], sizes = [1, 128], strides = [1, 1]} : vector<8x128xf32> to vector<1x128xf32>
    %transpose3A_33 = tpu.transpose %slice3A_32, [1, 0] : vector<1x128xf32> -> vector<128x1xf32>
    %get3A_34 = arith.constant 384 : index
    %get3A_35 = arith.constant 0 : index
    %get3A_36 = vector.load %arg1[%get3A_34, %get3A_35] : memref<1024x128xf32, #tpu.memory_space<vmem>>, vector<128x128xf32>
    %mul3A_37 = vector.broadcast %transpose3A_33 : vector<128x1xf32> to vector<128x128xf32>
    %mul3A_38 = arith.mulf %get3A_36, %mul3A_37 : vector<128x128xf32>
    %swap3A_39 = arith.constant 384 : index
    %swap3A_40 = arith.constant 0 : index
    %swap3A_41 = vector.load %arg3[%swap3A_39, %swap3A_40] : memref<1024x128xf32, #tpu.memory_space<vmem>>, vector<128x128xf32>
    tpu.vector_store %arg3[%swap3A_39, %swap3A_40], %mul3A_38 {strides = array<i32>} : memref<1024x128xf32, #tpu.memory_space<vmem>>, vector<128x128xf32>,
    %slice3A_42 = vector.extract_strided_slice %rsqrt3A {offsets = [4, 0], sizes = [1, 128], strides = [1, 1]} : vector<8x128xf32> to vector<1x128xf32>
    %transpose3A_43 = tpu.transpose %slice3A_42, [1, 0] : vector<1x128xf32> -> vector<128x1xf32>
    %get3A_44 = arith.constant 512 : index
    %get3A_45 = arith.constant 0 : index
    %get3A_46 = vector.load %arg1[%get3A_44, %get3A_45] : memref<1024x128xf32, #tpu.memory_space<vmem>>, vector<128x128xf32>
    %mul3A_47 = vector.broadcast %transpose3A_43 : vector<128x1xf32> to vector<128x128xf32>
    %mul3A_48 = arith.mulf %get3A_46, %mul3A_47 : vector<128x128xf32>
    %swap3A_49 = arith.constant 512 : index
    %swap3A_50 = arith.constant 0 : index
    %swap3A_51 = vector.load %arg3[%swap3A_49, %swap3A_50] : memref<1024x128xf32, #tpu.memory_space<vmem>>, vector<128x128xf32>
    tpu.vector_store %arg3[%swap3A_49, %swap3A_50], %mul3A_48 {strides = array<i32>} : memref<1024x128xf32, #tpu.memory_space<vmem>>, vector<128x128xf32>,
    %slice3A_52 = vector.extract_strided_slice %rsqrt3A {offsets = [5, 0], sizes = [1, 128], strides = [1, 1]} : vector<8x128xf32> to vector<1x128xf32>
    %transpose3A_53 = tpu.transpose %slice3A_52, [1, 0] : vector<1x128xf32> -> vector<128x1xf32>
    %get3A_54 = arith.constant 640 : index
    %get3A_55 = arith.constant 0 : index
    %get3A_56 = vector.load %arg1[%get3A_54, %get3A_55] : memref<1024x128xf32, #tpu.memory_space<vmem>>, vector<128x128xf32>
    %mul3A_57 = vector.broadcast %transpose3A_53 : vector<128x1xf32> to vector<128x128xf32>
    %mul3A_58 = arith.mulf %get3A_56, %mul3A_57 : vector<128x128xf32>
    %swap3A_59 = arith.constant 640 : index
    %swap3A_60 = arith.constant 0 : index
    %swap3A_61 = vector.load %arg3[%swap3A_59, %swap3A_60] : memref<1024x128xf32, #tpu.memory_space<vmem>>, vector<128x128xf32>
    tpu.vector_store %arg3[%swap3A_59, %swap3A_60], %mul3A_58 {strides = array<i32>} : memref<1024x128xf32, #tpu.memory_space<vmem>>, vector<128x128xf32>,
    %slice3A_62 = vector.extract_strided_slice %rsqrt3A {offsets = [6, 0], sizes = [1, 128], strides = [1, 1]} : vector<8x128xf32> to vector<1x128xf32>
    %transpose3A_63 = tpu.transpose %slice3A_62, [1, 0] : vector<1x128xf32> -> vector<128x1xf32>
    %get3A_64 = arith.constant 768 : index
    %get3A_65 = arith.constant 0 : index
    %get3A_66 = vector.load %arg1[%get3A_64, %get3A_65] : memref<1024x128xf32, #tpu.memory_space<vmem>>, vector<128x128xf32>
    %mul3A_67 = vector.broadcast %transpose3A_63 : vector<128x1xf32> to vector<128x128xf32>
    %mul3A_68 = arith.mulf %get3A_66, %mul3A_67 : vector<128x128xf32>
    %swap3A_69 = arith.constant 768 : index
    %swap3A_70 = arith.constant 0 : index
    %swap3A_71 = vector.load %arg3[%swap3A_69, %swap3A_70] : memref<1024x128xf32, #tpu.memory_space<vmem>>, vector<128x128xf32>
    tpu.vector_store %arg3[%swap3A_69, %swap3A_70], %mul3A_68 {strides = array<i32>} : memref<1024x128xf32, #tpu.memory_space<vmem>>, vector<128x128xf32>,
    %slice3A_72 = vector.extract_strided_slice %rsqrt3A {offsets = [7, 0], sizes = [1, 128], strides = [1, 1]} : vector<8x128xf32> to vector<1x128xf32>
    %transpose3A_73 = tpu.transpose %slice3A_72, [1, 0] : vector<1x128xf32> -> vector<128x1xf32>
    %get3A_74 = arith.constant 896 : index
    %get3A_75 = arith.constant 0 : index
    %get3A_76 = vector.load %arg1[%get3A_74, %get3A_75] : memref<1024x128xf32, #tpu.memory_space<vmem>>, vector<128x128xf32>
    %mul3A_77 = vector.broadcast %transpose3A_73 : vector<128x1xf32> to vector<128x128xf32>
    %mul3A_78 = arith.mulf %get3A_76, %mul3A_77 : vector<128x128xf32>
    %swap3A_79 = arith.constant 896 : index
    %swap3A_80 = arith.constant 0 : index
    %swap3A_81 = vector.load %arg3[%swap3A_79, %swap3A_80] : memref<1024x128xf32, #tpu.memory_space<vmem>>, vector<128x128xf32>
    tpu.vector_store %arg3[%swap3A_79, %swap3A_80], %mul3A_78 {strides = array<i32>} : memref<1024x128xf32, #tpu.memory_space<vmem>>, vector<128x128xf32>,
    return
  }
  func.func @transform_0(%arg0: i32) -> (i32, i32) {
    %c0_i32 = arith.constant 0 : i32
    %c0_i32_0 = arith.constant 0 : i32
    return %arg0, %c0_i32 : i32, i32
  }
  func.func @transform_1(%arg0: i32) -> (i32, i32, i32) {
    %c0_i32 = arith.constant 0 : i32
    %c0_i32_0 = arith.constant 0 : i32
    %c0_i32_1 = arith.constant 0 : i32
    return %c0_i32, %arg0, %c0_i32_0 : i32, i32, i32
  }
  func.func @transform_2(%arg0: i32) -> (i32, i32) {
    %c0_i32 = arith.constant 0 : i32
    %c0_i32_0 = arith.constant 0 : i32
    return %arg0, %c0_i32 : i32, i32
  }
}

module attributes {stable_mosaic.version = 14 : i64} {
  func.func @_tc2a_body(%arg0: i32, %arg1: memref<2x1024x128xf32, #tpu.memory_space<vmem>>, %arg2: memref<1024x128xf32, #tpu.memory_space<vmem>>, %arg3: memref<32x8x128xf32, #tpu.memory_space<vmem>>, %arg4: memref<128x128xf32, #tpu.memory_space<vmem>>, %arg5: memref<1x128xf32, #tpu.memory_space<vmem>>, %arg6: memref<1024x128xf32, #tpu.memory_space<vmem>>, %arg7: memref<8x128xf32, #tpu.memory_space<vmem>>) attributes {dimension_semantics = [#tpu.dimension_semantics<arbitrary>], iteration_bounds = array<i64: 10>, scalar_prefetch = 0 : i64, scratch_operands = 0 : i64, tpu.core_type = #tpu.core_type<tc>, window_params = [{transform_indices = @transform_0, window_bounds = array<i64: 2, 1024, 128>}, {transform_indices = @transform_1, window_bounds = array<i64: 1024, 128>}, {transform_indices = @transform_2, window_bounds = array<i64: 32, 8, 128>}, {pipeline_mode = #tpu.pipeline_mode<synchronous>, transform_indices = @transform_3, window_bounds = array<i64: 128, 128>}, {pipeline_mode = #tpu.pipeline_mode<synchronous>, transform_indices = @transform_4, window_bounds = array<i64: 1, 128>}, {transform_indices = @transform_5, window_bounds = array<i64: 1024, 128>}, {pipeline_mode = #tpu.pipeline_mode<synchronous>, transform_indices = @transform_6, window_bounds = array<i64: 8, 128>}]} {
    %get3A = arith.constant 0 : index
    %get3A_0 = arith.constant 0 : index
    %get3A_1 = arith.constant 0 : index
    %get3A_2 = vector.load %arg3[%get3A, %get3A_0, %get3A_1] : memref<32x8x128xf32, #tpu.memory_space<vmem>>, vector<32x8x128xf32>
    %reduce_sum3A = arith.constant dense<0.000000e+00> : vector<8x128xf32>
    %reduce_sum3A_3 = vector.multi_reduction <add>, %get3A_2, %reduce_sum3A [0] : vector<32x8x128xf32> to vector<8x128xf32>
    %add3A = arith.constant 1.000000e+00 : f32
    %add3A_4 = vector.broadcast %add3A : f32 to vector<8x128xf32>
    %add3A_5 = arith.addf %add3A_4, %reduce_sum3A_3 : vector<8x128xf32>
    %rsqrt3A = math.rsqrt %add3A_5 : vector<8x128xf32>
    %slice3A = vector.extract_strided_slice %rsqrt3A {offsets = [0, 0], sizes = [1, 128], strides = [1, 1]} : vector<8x128xf32> to vector<1x128xf32>
    %transpose3A = tpu.transpose %slice3A, [1, 0] : vector<1x128xf32> -> vector<128x1xf32>
    %get3A_6 = arith.constant 0 : index
    %get3A_7 = arith.constant 0 : index
    %get3A_8 = arith.constant 0 : index
    %get3A_9 = vector.load %arg1[%get3A_6, %get3A_7, %get3A_8] : memref<2x1024x128xf32, #tpu.memory_space<vmem>>, vector<1x128x128xf32>
    %get3A_10 = vector.shape_cast %get3A_9 : vector<1x128x128xf32> to vector<128x128xf32>
    %mul3A = vector.broadcast %transpose3A : vector<128x1xf32> to vector<128x128xf32>
    %mul3A_11 = arith.mulf %mul3A, %get3A_10 : vector<128x128xf32>
    %get3A_12 = arith.constant 1 : index
    %get3A_13 = arith.constant 0 : index
    %get3A_14 = arith.constant 0 : index
    %get3A_15 = vector.load %arg1[%get3A_12, %get3A_13, %get3A_14] : memref<2x1024x128xf32, #tpu.memory_space<vmem>>, vector<1x128x128xf32>
    %get3A_16 = vector.shape_cast %get3A_15 : vector<1x128x128xf32> to vector<128x128xf32>
    %mul3A_17 = vector.broadcast %transpose3A : vector<128x1xf32> to vector<128x128xf32>
    %mul3A_18 = arith.mulf %mul3A_17, %get3A_16 : vector<128x128xf32>
    %add3A_19 = arith.addf %mul3A_11, %mul3A_18 : vector<128x128xf32>
    %mul3A_20 = arith.mulf %transpose3A, %transpose3A : vector<128x1xf32>
    %get3A_21 = arith.constant 0 : index
    %get3A_22 = arith.constant 0 : index
    %get3A_23 = vector.load %arg2[%get3A_21, %get3A_22] : memref<1024x128xf32, #tpu.memory_space<vmem>>, vector<128x128xf32>
    %mul3A_24 = vector.broadcast %mul3A_20 : vector<128x1xf32> to vector<128x128xf32>
    %mul3A_25 = arith.mulf %mul3A_24, %get3A_23 : vector<128x128xf32>
    %add3A_26 = arith.addf %add3A_19, %mul3A_25 : vector<128x128xf32>
    %slice3A_27 = vector.extract_strided_slice %rsqrt3A {offsets = [1, 0], sizes = [1, 128], strides = [1, 1]} : vector<8x128xf32> to vector<1x128xf32>
    %transpose3A_28 = tpu.transpose %slice3A_27, [1, 0] : vector<1x128xf32> -> vector<128x1xf32>
    %get3A_29 = arith.constant 0 : index
    %get3A_30 = arith.constant 128 : index
    %get3A_31 = arith.constant 0 : index
    %get3A_32 = vector.load %arg1[%get3A_29, %get3A_30, %get3A_31] : memref<2x1024x128xf32, #tpu.memory_space<vmem>>, vector<1x128x128xf32>
    %get3A_33 = vector.shape_cast %get3A_32 : vector<1x128x128xf32> to vector<128x128xf32>
    %mul3A_34 = vector.broadcast %transpose3A_28 : vector<128x1xf32> to vector<128x128xf32>
    %mul3A_35 = arith.mulf %mul3A_34, %get3A_33 : vector<128x128xf32>
    %get3A_36 = arith.constant 1 : index
    %get3A_37 = arith.constant 128 : index
    %get3A_38 = arith.constant 0 : index
    %get3A_39 = vector.load %arg1[%get3A_36, %get3A_37, %get3A_38] : memref<2x1024x128xf32, #tpu.memory_space<vmem>>, vector<1x128x128xf32>
    %get3A_40 = vector.shape_cast %get3A_39 : vector<1x128x128xf32> to vector<128x128xf32>
    %mul3A_41 = vector.broadcast %transpose3A_28 : vector<128x1xf32> to vector<128x128xf32>
    %mul3A_42 = arith.mulf %mul3A_41, %get3A_40 : vector<128x128xf32>
    %add3A_43 = arith.addf %mul3A_35, %mul3A_42 : vector<128x128xf32>
    %mul3A_44 = arith.mulf %transpose3A_28, %transpose3A_28 : vector<128x1xf32>
    %get3A_45 = arith.constant 128 : index
    %get3A_46 = arith.constant 0 : index
    %get3A_47 = vector.load %arg2[%get3A_45, %get3A_46] : memref<1024x128xf32, #tpu.memory_space<vmem>>, vector<128x128xf32>
    %mul3A_48 = vector.broadcast %mul3A_44 : vector<128x1xf32> to vector<128x128xf32>
    %mul3A_49 = arith.mulf %mul3A_48, %get3A_47 : vector<128x128xf32>
    %add3A_50 = arith.addf %add3A_43, %mul3A_49 : vector<128x128xf32>
    %slice3A_51 = vector.extract_strided_slice %rsqrt3A {offsets = [2, 0], sizes = [1, 128], strides = [1, 1]} : vector<8x128xf32> to vector<1x128xf32>
    %transpose3A_52 = tpu.transpose %slice3A_51, [1, 0] : vector<1x128xf32> -> vector<128x1xf32>
    %get3A_53 = arith.constant 0 : index
    %get3A_54 = arith.constant 256 : index
    %get3A_55 = arith.constant 0 : index
    %get3A_56 = vector.load %arg1[%get3A_53, %get3A_54, %get3A_55] : memref<2x1024x128xf32, #tpu.memory_space<vmem>>, vector<1x128x128xf32>
    %get3A_57 = vector.shape_cast %get3A_56 : vector<1x128x128xf32> to vector<128x128xf32>
    %mul3A_58 = vector.broadcast %transpose3A_52 : vector<128x1xf32> to vector<128x128xf32>
    %mul3A_59 = arith.mulf %mul3A_58, %get3A_57 : vector<128x128xf32>
    %get3A_60 = arith.constant 1 : index
    %get3A_61 = arith.constant 256 : index
    %get3A_62 = arith.constant 0 : index
    %get3A_63 = vector.load %arg1[%get3A_60, %get3A_61, %get3A_62] : memref<2x1024x128xf32, #tpu.memory_space<vmem>>, vector<1x128x128xf32>
    %get3A_64 = vector.shape_cast %get3A_63 : vector<1x128x128xf32> to vector<128x128xf32>
    %mul3A_65 = vector.broadcast %transpose3A_52 : vector<128x1xf32> to vector<128x128xf32>
    %mul3A_66 = arith.mulf %mul3A_65, %get3A_64 : vector<128x128xf32>
    %add3A_67 = arith.addf %mul3A_59, %mul3A_66 : vector<128x128xf32>
    %mul3A_68 = arith.mulf %transpose3A_52, %transpose3A_52 : vector<128x1xf32>
    %get3A_69 = arith.constant 256 : index
    %get3A_70 = arith.constant 0 : index
    %get3A_71 = vector.load %arg2[%get3A_69, %get3A_70] : memref<1024x128xf32, #tpu.memory_space<vmem>>, vector<128x128xf32>
    %mul3A_72 = vector.broadcast %mul3A_68 : vector<128x1xf32> to vector<128x128xf32>
    %mul3A_73 = arith.mulf %mul3A_72, %get3A_71 : vector<128x128xf32>
    %add3A_74 = arith.addf %add3A_67, %mul3A_73 : vector<128x128xf32>
    %slice3A_75 = vector.extract_strided_slice %rsqrt3A {offsets = [3, 0], sizes = [1, 128], strides = [1, 1]} : vector<8x128xf32> to vector<1x128xf32>
    %transpose3A_76 = tpu.transpose %slice3A_75, [1, 0] : vector<1x128xf32> -> vector<128x1xf32>
    %get3A_77 = arith.constant 0 : index
    %get3A_78 = arith.constant 384 : index
    %get3A_79 = arith.constant 0 : index
    %get3A_80 = vector.load %arg1[%get3A_77, %get3A_78, %get3A_79] : memref<2x1024x128xf32, #tpu.memory_space<vmem>>, vector<1x128x128xf32>
    %get3A_81 = vector.shape_cast %get3A_80 : vector<1x128x128xf32> to vector<128x128xf32>
    %mul3A_82 = vector.broadcast %transpose3A_76 : vector<128x1xf32> to vector<128x128xf32>
    %mul3A_83 = arith.mulf %mul3A_82, %get3A_81 : vector<128x128xf32>
    %get3A_84 = arith.constant 1 : index
    %get3A_85 = arith.constant 384 : index
    %get3A_86 = arith.constant 0 : index
    %get3A_87 = vector.load %arg1[%get3A_84, %get3A_85, %get3A_86] : memref<2x1024x128xf32, #tpu.memory_space<vmem>>, vector<1x128x128xf32>
    %get3A_88 = vector.shape_cast %get3A_87 : vector<1x128x128xf32> to vector<128x128xf32>
    %mul3A_89 = vector.broadcast %transpose3A_76 : vector<128x1xf32> to vector<128x128xf32>
    %mul3A_90 = arith.mulf %mul3A_89, %get3A_88 : vector<128x128xf32>
    %add3A_91 = arith.addf %mul3A_83, %mul3A_90 : vector<128x128xf32>
    %mul3A_92 = arith.mulf %transpose3A_76, %transpose3A_76 : vector<128x1xf32>
    %get3A_93 = arith.constant 384 : index
    %get3A_94 = arith.constant 0 : index
    %get3A_95 = vector.load %arg2[%get3A_93, %get3A_94] : memref<1024x128xf32, #tpu.memory_space<vmem>>, vector<128x128xf32>
    %mul3A_96 = vector.broadcast %mul3A_92 : vector<128x1xf32> to vector<128x128xf32>
    %mul3A_97 = arith.mulf %mul3A_96, %get3A_95 : vector<128x128xf32>
    %add3A_98 = arith.addf %add3A_91, %mul3A_97 : vector<128x128xf32>
    %slice3A_99 = vector.extract_strided_slice %rsqrt3A {offsets = [4, 0], sizes = [1, 128], strides = [1, 1]} : vector<8x128xf32> to vector<1x128xf32>
    %transpose3A_100 = tpu.transpose %slice3A_99, [1, 0] : vector<1x128xf32> -> vector<128x1xf32>
    %get3A_101 = arith.constant 0 : index
    %get3A_102 = arith.constant 512 : index
    %get3A_103 = arith.constant 0 : index
    %get3A_104 = vector.load %arg1[%get3A_101, %get3A_102, %get3A_103] : memref<2x1024x128xf32, #tpu.memory_space<vmem>>, vector<1x128x128xf32>
    %get3A_105 = vector.shape_cast %get3A_104 : vector<1x128x128xf32> to vector<128x128xf32>
    %mul3A_106 = vector.broadcast %transpose3A_100 : vector<128x1xf32> to vector<128x128xf32>
    %mul3A_107 = arith.mulf %mul3A_106, %get3A_105 : vector<128x128xf32>
    %get3A_108 = arith.constant 1 : index
    %get3A_109 = arith.constant 512 : index
    %get3A_110 = arith.constant 0 : index
    %get3A_111 = vector.load %arg1[%get3A_108, %get3A_109, %get3A_110] : memref<2x1024x128xf32, #tpu.memory_space<vmem>>, vector<1x128x128xf32>
    %get3A_112 = vector.shape_cast %get3A_111 : vector<1x128x128xf32> to vector<128x128xf32>
    %mul3A_113 = vector.broadcast %transpose3A_100 : vector<128x1xf32> to vector<128x128xf32>
    %mul3A_114 = arith.mulf %mul3A_113, %get3A_112 : vector<128x128xf32>
    %add3A_115 = arith.addf %mul3A_107, %mul3A_114 : vector<128x128xf32>
    %mul3A_116 = arith.mulf %transpose3A_100, %transpose3A_100 : vector<128x1xf32>
    %get3A_117 = arith.constant 512 : index
    %get3A_118 = arith.constant 0 : index
    %get3A_119 = vector.load %arg2[%get3A_117, %get3A_118] : memref<1024x128xf32, #tpu.memory_space<vmem>>, vector<128x128xf32>
    %mul3A_120 = vector.broadcast %mul3A_116 : vector<128x1xf32> to vector<128x128xf32>
    %mul3A_121 = arith.mulf %mul3A_120, %get3A_119 : vector<128x128xf32>
    %add3A_122 = arith.addf %add3A_115, %mul3A_121 : vector<128x128xf32>
    %slice3A_123 = vector.extract_strided_slice %rsqrt3A {offsets = [5, 0], sizes = [1, 128], strides = [1, 1]} : vector<8x128xf32> to vector<1x128xf32>
    %transpose3A_124 = tpu.transpose %slice3A_123, [1, 0] : vector<1x128xf32> -> vector<128x1xf32>
    %get3A_125 = arith.constant 0 : index
    %get3A_126 = arith.constant 640 : index
    %get3A_127 = arith.constant 0 : index
    %get3A_128 = vector.load %arg1[%get3A_125, %get3A_126, %get3A_127] : memref<2x1024x128xf32, #tpu.memory_space<vmem>>, vector<1x128x128xf32>
    %get3A_129 = vector.shape_cast %get3A_128 : vector<1x128x128xf32> to vector<128x128xf32>
    %mul3A_130 = vector.broadcast %transpose3A_124 : vector<128x1xf32> to vector<128x128xf32>
    %mul3A_131 = arith.mulf %mul3A_130, %get3A_129 : vector<128x128xf32>
    %get3A_132 = arith.constant 1 : index
    %get3A_133 = arith.constant 640 : index
    %get3A_134 = arith.constant 0 : index
    %get3A_135 = vector.load %arg1[%get3A_132, %get3A_133, %get3A_134] : memref<2x1024x128xf32, #tpu.memory_space<vmem>>, vector<1x128x128xf32>
    %get3A_136 = vector.shape_cast %get3A_135 : vector<1x128x128xf32> to vector<128x128xf32>
    %mul3A_137 = vector.broadcast %transpose3A_124 : vector<128x1xf32> to vector<128x128xf32>
    %mul3A_138 = arith.mulf %mul3A_137, %get3A_136 : vector<128x128xf32>
    %add3A_139 = arith.addf %mul3A_131, %mul3A_138 : vector<128x128xf32>
    %mul3A_140 = arith.mulf %transpose3A_124, %transpose3A_124 : vector<128x1xf32>
    %get3A_141 = arith.constant 640 : index
    %get3A_142 = arith.constant 0 : index
    %get3A_143 = vector.load %arg2[%get3A_141, %get3A_142] : memref<1024x128xf32, #tpu.memory_space<vmem>>, vector<128x128xf32>
    %mul3A_144 = vector.broadcast %mul3A_140 : vector<128x1xf32> to vector<128x128xf32>
    %mul3A_145 = arith.mulf %mul3A_144, %get3A_143 : vector<128x128xf32>
    %add3A_146 = arith.addf %add3A_139, %mul3A_145 : vector<128x128xf32>
    %slice3A_147 = vector.extract_strided_slice %rsqrt3A {offsets = [6, 0], sizes = [1, 128], strides = [1, 1]} : vector<8x128xf32> to vector<1x128xf32>
    %transpose3A_148 = tpu.transpose %slice3A_147, [1, 0] : vector<1x128xf32> -> vector<128x1xf32>
    %get3A_149 = arith.constant 0 : index
    %get3A_150 = arith.constant 768 : index
    %get3A_151 = arith.constant 0 : index
    %get3A_152 = vector.load %arg1[%get3A_149, %get3A_150, %get3A_151] : memref<2x1024x128xf32, #tpu.memory_space<vmem>>, vector<1x128x128xf32>
    %get3A_153 = vector.shape_cast %get3A_152 : vector<1x128x128xf32> to vector<128x128xf32>
    %mul3A_154 = vector.broadcast %transpose3A_148 : vector<128x1xf32> to vector<128x128xf32>
    %mul3A_155 = arith.mulf %mul3A_154, %get3A_153 : vector<128x128xf32>
    %get3A_156 = arith.constant 1 : index
    %get3A_157 = arith.constant 768 : index
    %get3A_158 = arith.constant 0 : index
    %get3A_159 = vector.load %arg1[%get3A_156, %get3A_157, %get3A_158] : memref<2x1024x128xf32, #tpu.memory_space<vmem>>, vector<1x128x128xf32>
    %get3A_160 = vector.shape_cast %get3A_159 : vector<1x128x128xf32> to vector<128x128xf32>
    %mul3A_161 = vector.broadcast %transpose3A_148 : vector<128x1xf32> to vector<128x128xf32>
    %mul3A_162 = arith.mulf %mul3A_161, %get3A_160 : vector<128x128xf32>
    %add3A_163 = arith.addf %mul3A_155, %mul3A_162 : vector<128x128xf32>
    %mul3A_164 = arith.mulf %transpose3A_148, %transpose3A_148 : vector<128x1xf32>
    %get3A_165 = arith.constant 768 : index
    %get3A_166 = arith.constant 0 : index
    %get3A_167 = vector.load %arg2[%get3A_165, %get3A_166] : memref<1024x128xf32, #tpu.memory_space<vmem>>, vector<128x128xf32>
    %mul3A_168 = vector.broadcast %mul3A_164 : vector<128x1xf32> to vector<128x128xf32>
    %mul3A_169 = arith.mulf %mul3A_168, %get3A_167 : vector<128x128xf32>
    %add3A_170 = arith.addf %add3A_163, %mul3A_169 : vector<128x128xf32>
    %slice3A_171 = vector.extract_strided_slice %rsqrt3A {offsets = [7, 0], sizes = [1, 128], strides = [1, 1]} : vector<8x128xf32> to vector<1x128xf32>
    %transpose3A_172 = tpu.transpose %slice3A_171, [1, 0] : vector<1x128xf32> -> vector<128x1xf32>
    %get3A_173 = arith.constant 0 : index
    %get3A_174 = arith.constant 896 : index
    %get3A_175 = arith.constant 0 : index
    %get3A_176 = vector.load %arg1[%get3A_173, %get3A_174, %get3A_175] : memref<2x1024x128xf32, #tpu.memory_space<vmem>>, vector<1x128x128xf32>
    %get3A_177 = vector.shape_cast %get3A_176 : vector<1x128x128xf32> to vector<128x128xf32>
    %mul3A_178 = vector.broadcast %transpose3A_172 : vector<128x1xf32> to vector<128x128xf32>
    %mul3A_179 = arith.mulf %mul3A_178, %get3A_177 : vector<128x128xf32>
    %get3A_180 = arith.constant 1 : index
    %get3A_181 = arith.constant 896 : index
    %get3A_182 = arith.constant 0 : index
    %get3A_183 = vector.load %arg1[%get3A_180, %get3A_181, %get3A_182] : memref<2x1024x128xf32, #tpu.memory_space<vmem>>, vector<1x128x128xf32>
    %get3A_184 = vector.shape_cast %get3A_183 : vector<1x128x128xf32> to vector<128x128xf32>
    %mul3A_185 = vector.broadcast %transpose3A_172 : vector<128x1xf32> to vector<128x128xf32>
    %mul3A_186 = arith.mulf %mul3A_185, %get3A_184 : vector<128x128xf32>
    %add3A_187 = arith.addf %mul3A_179, %mul3A_186 : vector<128x128xf32>
    %mul3A_188 = arith.mulf %transpose3A_172, %transpose3A_172 : vector<128x1xf32>
    %get3A_189 = arith.constant 896 : index
    %get3A_190 = arith.constant 0 : index
    %get3A_191 = vector.load %arg2[%get3A_189, %get3A_190] : memref<1024x128xf32, #tpu.memory_space<vmem>>, vector<128x128xf32>
    %mul3A_192 = vector.broadcast %mul3A_188 : vector<128x1xf32> to vector<128x128xf32>
    %mul3A_193 = arith.mulf %mul3A_192, %get3A_191 : vector<128x128xf32>
    %add3A_194 = arith.addf %add3A_187, %mul3A_193 : vector<128x128xf32>
    %concatenate3A = tpu.concatenate %add3A_26, %add3A_50, %add3A_74, %add3A_98, %add3A_122, %add3A_146, %add3A_170, %add3A_194 in 0 : vector<128x128xf32>, vector<128x128xf32>, vector<128x128xf32>, vector<128x128xf32>, vector<128x128xf32>, vector<128x128xf32>, vector<128x128xf32>, vector<128x128xf32> -> vector<1024x128xf32>
    %get3A_195 = arith.constant 0 : index
    %get3A_196 = arith.constant 0 : index
    %get3A_197 = vector.load %arg4[%get3A_195, %get3A_196] : memref<128x128xf32, #tpu.memory_space<vmem>>, vector<128x128xf32>
    %dot_general3A = arith.constant dense<0.000000e+00> : vector<1024x128xf32>
    %dot_general3A_198 = tpu.matmul %concatenate3A, %get3A_197, %dot_general3A {dimension_numbers = #tpu.dot_dimension_numbers<[1], [0], [0], [1], [0, 0, 1, 1], [], []>, transpose_lhs_hint = false} : vector<1024x128xf32>, vector<128x128xf32>, vector<1024x128xf32> -> vector<1024x128xf32>
    %get3A_199 = arith.constant 0 : index
    %get3A_200 = arith.constant 0 : index
    %get3A_201 = vector.load %arg5[%get3A_199, %get3A_200] : memref<1x128xf32, #tpu.memory_space<vmem>>, vector<1x128xf32>
    %add3A_202 = vector.broadcast %get3A_201 : vector<1x128xf32> to vector<1024x128xf32>
    %add3A_203 = arith.addf %dot_general3A_198, %add3A_202 : vector<1024x128xf32>
    %swap3A = arith.constant 0 : index
    %swap3A_204 = arith.constant 0 : index
    %swap3A_205 = vector.load %arg6[%swap3A, %swap3A_204] : memref<1024x128xf32, #tpu.memory_space<vmem>>, vector<1024x128xf32>
    tpu.vector_store %arg6[%swap3A, %swap3A_204], %add3A_203 {strides = array<i32>} : memref<1024x128xf32, #tpu.memory_space<vmem>>, vector<1024x128xf32>,
    %eq3A = arith.constant 0 : i32
    %eq3A_206 = arith.cmpi eq, %arg0, %eq3A : i32
    %convert_element_type3A = arith.extui %eq3A_206 : i1 to i32
    %cond3A = arith.constant 0 : i32
    %cond3A_207 = arith.cmpi ne, %convert_element_type3A, %cond3A : i32
    scf.if %cond3A_207 {
      %broadcast_in_dim3A_235 = arith.constant 0.000000e+00 : f32
      %broadcast_in_dim3A_236 = vector.broadcast %broadcast_in_dim3A_235 : f32 to vector<8x128xf32>
      %swap3A_237 = arith.constant 0 : index
      %swap3A_238 = arith.constant 0 : index
      %swap3A_239 = vector.load %arg7[%swap3A_237, %swap3A_238] : memref<8x128xf32, #tpu.memory_space<vmem>>, vector<8x128xf32>
      tpu.vector_store %arg7[%swap3A_237, %swap3A_238], %broadcast_in_dim3A_236 {strides = array<i32>} : memref<8x128xf32, #tpu.memory_space<vmem>>, vector<8x128xf32>,
    } else {
    }
    %iota3A = tpu.iota {dimensions = array<i32: 0>} : vector<1024x1xi32>
    %mul3A_208 = arith.constant 1024 : i32
    %mul3A_209 = arith.muli %arg0, %mul3A_208 : i32
    %sub3A = arith.constant 10000 : i32
    %sub3A_210 = arith.subi %sub3A, %mul3A_209 : i32
    %lt3A = vector.broadcast %sub3A_210 : i32 to vector<1024x1xi32>
    %lt3A_211 = arith.cmpi slt, %iota3A, %lt3A : vector<1024x1xi32>
    %jit3A = arith.constant 0.000000e+00 : f32
    %broadcast_in_dim3A = vector.shape_cast %lt3A_211 : vector<1024x1xi1> to vector<1024x1xi1>
    %broadcast_in_dim3A_212 = vector.broadcast %broadcast_in_dim3A : vector<1024x1xi1> to vector<1024x128xi1>
    %broadcast_in_dim3A_213 = vector.broadcast %jit3A : f32 to vector<1024x128xf32>
    %select_n3A = arith.select %broadcast_in_dim3A_212, %add3A_203, %broadcast_in_dim3A_213 : vector<1024x128xi1>, vector<1024x128xf32>
    %get3A_214 = arith.constant 0 : index
    %get3A_215 = arith.constant 0 : index
    %get3A_216 = vector.load %arg7[%get3A_214, %get3A_215] : memref<8x128xf32, #tpu.memory_space<vmem>>, vector<1x128xf32>
    %reduce_sum3A_217 = arith.constant dense<0.000000e+00> : vector<128xf32>
    %reduce_sum3A_218 = vector.multi_reduction <add>, %select_n3A, %reduce_sum3A_217 [0] : vector<1024x128xf32> to vector<128xf32>
    %broadcast_in_dim3A_219 = vector.shape_cast %reduce_sum3A_218 : vector<128xf32> to vector<1x128xf32>
    %add3A_220 = arith.addf %get3A_216, %broadcast_in_dim3A_219 : vector<1x128xf32>
    %swap3A_221 = arith.constant 0 : index
    %swap3A_222 = arith.constant 0 : index
    %swap3A_223 = vector.load %arg7[%swap3A_221, %swap3A_222] : memref<8x128xf32, #tpu.memory_space<vmem>>, vector<1x128xf32>
    tpu.vector_store %arg7[%swap3A_221, %swap3A_222], %add3A_220 {strides = array<i32>} : memref<8x128xf32, #tpu.memory_space<vmem>>, vector<1x128xf32>,
    %get3A_224 = arith.constant 1 : index
    %get3A_225 = arith.constant 0 : index
    %get3A_226 = vector.load %arg7[%get3A_224, %get3A_225] : memref<8x128xf32, #tpu.memory_space<vmem>>, vector<1x128xf32>
    %mul3A_227 = arith.mulf %select_n3A, %select_n3A : vector<1024x128xf32>
    %reduce_sum3A_228 = arith.constant dense<0.000000e+00> : vector<128xf32>
    %reduce_sum3A_229 = vector.multi_reduction <add>, %mul3A_227, %reduce_sum3A_228 [0] : vector<1024x128xf32> to vector<128xf32>
    %broadcast_in_dim3A_230 = vector.shape_cast %reduce_sum3A_229 : vector<128xf32> to vector<1x128xf32>
    %add3A_231 = arith.addf %get3A_226, %broadcast_in_dim3A_230 : vector<1x128xf32>
    %swap3A_232 = arith.constant 1 : index
    %swap3A_233 = arith.constant 0 : index
    %swap3A_234 = vector.load %arg7[%swap3A_232, %swap3A_233] : memref<8x128xf32, #tpu.memory_space<vmem>>, vector<1x128xf32>
    tpu.vector_store %arg7[%swap3A_232, %swap3A_233], %add3A_231 {strides = array<i32>} : memref<8x128xf32, #tpu.memory_space<vmem>>, vector<1x128xf32>,
    return
  }
  func.func @transform_0(%arg0: i32) -> (i32, i32, i32) {
    %c0_i32 = arith.constant 0 : i32
    %c0_i32_0 = arith.constant 0 : i32
    %c0_i32_1 = arith.constant 0 : i32
    return %c0_i32, %arg0, %c0_i32_0 : i32, i32, i32
  }
  func.func @transform_1(%arg0: i32) -> (i32, i32) {
    %c0_i32 = arith.constant 0 : i32
    %c0_i32_0 = arith.constant 0 : i32
    return %arg0, %c0_i32 : i32, i32
  }
  func.func @transform_2(%arg0: i32) -> (i32, i32, i32) {
    %c0_i32 = arith.constant 0 : i32
    %c0_i32_0 = arith.constant 0 : i32
    %c0_i32_1 = arith.constant 0 : i32
    return %c0_i32, %arg0, %c0_i32_0 : i32, i32, i32
  }
  func.func @transform_3(%arg0: i32) -> (i32, i32) {
    %c0_i32 = arith.constant 0 : i32
    %c0_i32_0 = arith.constant 0 : i32
    %c0_i32_1 = arith.constant 0 : i32
    return %c0_i32, %c0_i32_0 : i32, i32
  }
  func.func @transform_4(%arg0: i32) -> (i32, i32) {
    %c0_i32 = arith.constant 0 : i32
    %c0_i32_0 = arith.constant 0 : i32
    %c0_i32_1 = arith.constant 0 : i32
    return %c0_i32, %c0_i32_0 : i32, i32
  }
  func.func @transform_5(%arg0: i32) -> (i32, i32) {
    %c0_i32 = arith.constant 0 : i32
    %c0_i32_0 = arith.constant 0 : i32
    return %arg0, %c0_i32 : i32, i32
  }
  func.func @transform_6(%arg0: i32) -> (i32, i32) {
    %c0_i32 = arith.constant 0 : i32
    %c0_i32_0 = arith.constant 0 : i32
    %c0_i32_1 = arith.constant 0 : i32
    return %c0_i32, %c0_i32_0 : i32, i32
  }
}

module attributes {stable_mosaic.version = 14 : i64} {
  func.func @_tc2b_body(%arg0: i32, %arg1: memref<1024x128xf32, #tpu.memory_space<vmem>>, %arg2: memref<8x128xf32, #tpu.memory_space<vmem>>, %arg3: memref<1x128xf32, #tpu.memory_space<vmem>>, %arg4: memref<1x128xf32, #tpu.memory_space<vmem>>, %arg5: memref<1024x128xf32, #tpu.memory_space<vmem>>) attributes {dimension_semantics = [#tpu.dimension_semantics<arbitrary>], iteration_bounds = array<i64: 10>, scalar_prefetch = 0 : i64, scratch_operands = 0 : i64, tpu.core_type = #tpu.core_type<tc>, window_params = [{transform_indices = @transform_0, window_bounds = array<i64: 1024, 128>}, {pipeline_mode = #tpu.pipeline_mode<synchronous>, transform_indices = @transform_1, window_bounds = array<i64: 8, 128>}, {pipeline_mode = #tpu.pipeline_mode<synchronous>, transform_indices = @transform_2, window_bounds = array<i64: 1, 128>}, {pipeline_mode = #tpu.pipeline_mode<synchronous>, transform_indices = @transform_3, window_bounds = array<i64: 1, 128>}, {transform_indices = @transform_4, window_bounds = array<i64: 1024, 128>}]} {
    %get3A = arith.constant 0 : index
    %get3A_0 = arith.constant 0 : index
    %get3A_1 = vector.load %arg2[%get3A, %get3A_0] : memref<8x128xf32, #tpu.memory_space<vmem>>, vector<1x128xf32>
    %mul3A = arith.constant 9.99999974E-5 : f32
    %mul3A_2 = vector.broadcast %mul3A : f32 to vector<1x128xf32>
    %mul3A_3 = arith.mulf %get3A_1, %mul3A_2 : vector<1x128xf32>
    %get3A_4 = arith.constant 1 : index
    %get3A_5 = arith.constant 0 : index
    %get3A_6 = vector.load %arg2[%get3A_4, %get3A_5] : memref<8x128xf32, #tpu.memory_space<vmem>>, vector<1x128xf32>
    %mul3A_7 = arith.constant 9.99999974E-5 : f32
    %mul3A_8 = vector.broadcast %mul3A_7 : f32 to vector<1x128xf32>
    %mul3A_9 = arith.mulf %get3A_6, %mul3A_8 : vector<1x128xf32>
    %mul3A_10 = arith.mulf %mul3A_3, %mul3A_3 : vector<1x128xf32>
    %sub3A = arith.subf %mul3A_9, %mul3A_10 : vector<1x128xf32>
    %add3A = arith.constant 9.99999974E-6 : f32
    %add3A_11 = vector.broadcast %add3A : f32 to vector<1x128xf32>
    %add3A_12 = arith.addf %sub3A, %add3A_11 : vector<1x128xf32>
    %rsqrt3A = math.rsqrt %add3A_12 : vector<1x128xf32>
    %get3A_13 = arith.constant 0 : index
    %get3A_14 = arith.constant 0 : index
    %get3A_15 = vector.load %arg3[%get3A_13, %get3A_14] : memref<1x128xf32, #tpu.memory_space<vmem>>, vector<1x128xf32>
    %mul3A_16 = arith.mulf %rsqrt3A, %get3A_15 : vector<1x128xf32>
    %get3A_17 = arith.constant 0 : index
    %get3A_18 = arith.constant 0 : index
    %get3A_19 = vector.load %arg1[%get3A_17, %get3A_18] : memref<1024x128xf32, #tpu.memory_space<vmem>>, vector<1024x128xf32>
    %sub3A_20 = vector.broadcast %mul3A_3 : vector<1x128xf32> to vector<1024x128xf32>
    %sub3A_21 = arith.subf %get3A_19, %sub3A_20 : vector<1024x128xf32>
    %mul3A_22 = vector.broadcast %mul3A_16 : vector<1x128xf32> to vector<1024x128xf32>
    %mul3A_23 = arith.mulf %sub3A_21, %mul3A_22 : vector<1024x128xf32>
    %get3A_24 = arith.constant 0 : index
    %get3A_25 = arith.constant 0 : index
    %get3A_26 = vector.load %arg4[%get3A_24, %get3A_25] : memref<1x128xf32, #tpu.memory_space<vmem>>, vector<1x128xf32>
    %add3A_27 = vector.broadcast %get3A_26 : vector<1x128xf32> to vector<1024x128xf32>
    %add3A_28 = arith.addf %mul3A_23, %add3A_27 : vector<1024x128xf32>
    %max3A = arith.constant 0.000000e+00 : f32
    %max3A_29 = vector.broadcast %max3A : f32 to vector<1024x128xf32>
    %max3A_30 = arith.maximumf %add3A_28, %max3A_29 : vector<1024x128xf32>
    %swap3A = arith.constant 0 : index
    %swap3A_31 = arith.constant 0 : index
    %swap3A_32 = vector.load %arg5[%swap3A, %swap3A_31] : memref<1024x128xf32, #tpu.memory_space<vmem>>, vector<1024x128xf32>
    tpu.vector_store %arg5[%swap3A, %swap3A_31], %max3A_30 {strides = array<i32>} : memref<1024x128xf32, #tpu.memory_space<vmem>>, vector<1024x128xf32>,
    return
  }
  func.func @transform_0(%arg0: i32) -> (i32, i32) {
    %c0_i32 = arith.constant 0 : i32
    %c0_i32_0 = arith.constant 0 : i32
    return %arg0, %c0_i32 : i32, i32
  }
  func.func @transform_1(%arg0: i32) -> (i32, i32) {
    %c0_i32 = arith.constant 0 : i32
    %c0_i32_0 = arith.constant 0 : i32
    %c0_i32_1 = arith.constant 0 : i32
    return %c0_i32, %c0_i32_0 : i32, i32
  }
  func.func @transform_2(%arg0: i32) -> (i32, i32) {
    %c0_i32 = arith.constant 0 : i32
    %c0_i32_0 = arith.constant 0 : i32
    %c0_i32_1 = arith.constant 0 : i32
    return %c0_i32, %c0_i32_0 : i32, i32
  }
  func.func @transform_3(%arg0: i32) -> (i32, i32) {
    %c0_i32 = arith.constant 0 : i32
    %c0_i32_0 = arith.constant 0 : i32
    %c0_i32_1 = arith.constant 0 : i32
    return %c0_i32, %c0_i32_0 : i32, i32
  }
  func.func @transform_4(%arg0: i32) -> (i32, i32) {
    %c0_i32 = arith.constant 0 : i32
    %c0_i32_0 = arith.constant 0 : i32
    return %arg0, %c0_i32 : i32, i32
  }
}

</mosaic_0001>

<sc_bundles>
// kernel: kernel.10.cloned.1.call-start
scs
__scs_entry_jumppad:
0x0: {  	(pc) =	sbr.rel $0x88, $3  }
0x1: {  	(tag) =	ssettag $0x0;
	lr =	simm.s32 $0x1  }
0x2: {  	[smem:$0x3F9B] =	sst lr;
	_ =	strace $0xD0000000  }
0x3: {  	_ = 	snop  }
0x4: {  	_ = 	snop  }
0x5: {  	_ = 	snop  }
0x6: {  	_ = 	snop  }
0x7: {  	_ = 	snop  }
__scs_overlays_trampoline_lowered:
0x8: {  	[smem:$0x3FAA] =	sst s0  }
0x9: {  	[smem:$0x3FAB] =	sst s1  }
0xa: {  	[smem:$0x3FAC] =	sst s2  }
0xb: {  	[smem:$0x3FAD] =	sst s3  }
0xc: {  	[smem:$0x3FAE] =	sst s4  }
0xd: {  	[smem:$0x3FAF] =	sst s5  }
0xe: {  	[smem:$0x3FB0] =	sst s6  }
0xf: {  	[smem:$0x3FB1] =	sst s7  }
0x10: {  	[smem:$0x3FB2] =	sst s8  }
0x11: {  	[smem:$0x3FB3] =	sst s9;
	s0 =	simm.s32 @!p0 $0x0  }
0x12: {  	s1 =	sld [smem:$0x3F99];
	s0 =	simm.s32 @p0 $0x1  }
0x13: {  	[smem:$0x3FB4] =	sst s0;
	s0 =	simm.s32 @!p1 $0x0  }
0x14: {  	s2 =	sld [smem:$0x3F98];
	s0 =	simm.s32 @p1 $0x1  }
0x15: {  	[smem:$0x3FB5] =	sst s0;
	s0 =	simm.s32 @!p2 $0x0  }
0x16: {  	s3 =	sld [smem:$0x3FDB];
	s0 =	simm.s32 @p2 $0x1  }
0x17: {  	s4 =	simm.s32 $0x1BF5;
	[smem:$0x3FB7] =	sst s0  }
0x18: {  	s0 =	sld [smem:$0x3F9A];
	_ =	swait.ge [sflag:s4], $0x0  }
0x19: {  	s7 =	sld [smem:$0x3F9B]  }
0x1a: {  	s8 =	sadd.s32 $0xFFFFE003, lr  }
0x1b: {  	s9 =	sadd.s32 $0xFFFFFEF7, lr;
	s5 =	simm.s32 $0xFFFFFFFF;
	p2 =	slt.u32 s8, $0xFFFFF086  }
0x1c: {  	p1 =	slt.u32 s9, $0xF7A;
	s5 =	simm.s32 @!p2 $0x0  }
0x1d: {  	s5 =	simm.s32 @p1 $0x1;
	p0 =	seq.s32 s7, s2  }
0x1e: {  	s7 =	smul.u32 @!p0 $0xF7A, s2;
	p2 =	seq.s32 @!p0 s5, $0x0  }
0x1f: {  	s9 =	smul.u32 $0xF7A, s1;
	s8 =	simm.s32 @!p0 $0x1BF5;
	p2 =	por !p2, p0  }
0x20: {  	[sflag:s8] =	ssyncset.s32 @!p0 $0xFFFFF086;
	s6 =	sadd.s32 @!p0 s3, s7;
	s7 =	simm.s32 @!p0 $0x108  }
0x21: {  	s3 =	sadd.s32 s3, s9;
	s6 =	sadd.s32 @!p0 $0x88, s6;
	s7 =	simm.s32 @p2 $0x1082  }
0x22: {  	[simem:s7], [sflag:s8] =	dma.local @!p0 [hbm:s6], $0xF7A  }
0x23: {  	s9 =	sor.u32 $0xD0000000, s2;
	s6 =	simm.s32 $0x108;
	_ =	swait.ge @!p0 [sflag:s8], $0x0  }
0x24: {  	s3 =	sadd.s32 $0x88, s3;
	s6 =	simm.s32 @!p1 $0x1082;
	[sflag:s4] =	ssyncset.s32 $0xFFFFF086  }
0x25: {  	[simem:s6], [sflag:s4] =	dma.local [hbm:s3], $0xF7A  }
0x26: {  	[smem:$0x3F9B] =	sst s1;
	(tag) =	ssettag s2;
	_ =	strace s9  }
0x27: {  	s1 =	sld [smem:$0x3FAB]  }
0x28: {  	s2 =	sld [smem:$0x3FAC]  }
0x29: {  	s4 =	sld [smem:$0x3FAE]  }
0x2a: {  	p0 =	seq.s32 s5, $0x0;
	s5 =	sld [smem:$0x3FAF]  }
0x2b: {  	s6 =	sld [smem:$0x3FB0]  }
0x2c: {  	s7 =	sld [smem:$0x3FB1]  }
0x2d: {  	s3 =	simm.s32 $0x108;
	s8 =	sld [smem:$0x3FB2]  }
0x2e: {  	s3 =	simm.s32 @!p0 $0x1082;
	s9 =	sld [smem:$0x3FB3]  }
0x2f: {  	lr =	sadd.s32 s0, s3;
	s0 =	sld [smem:$0x3FAA]  }
0x30: {  	s3 =	sld [smem:$0x3FAD]  }
0x31: {  	[smem:$0x3FB6] =	sst s10  }
0x32: {  	s10 =	sld [smem:$0x3FB4];
	_ =	sdelay $0x3  }
0x33: {  	p0 =	seq.s32 s10, $0x1;
	s10 =	sld [smem:$0x3FB6];
	_ =	sdelay $0x3  }
0x34: {  	[smem:$0x3FB6] =	sst s10  }
0x35: {  	s10 =	sld [smem:$0x3FB5];
	_ =	sdelay $0x3  }
0x36: {  	p1 =	seq.s32 s10, $0x1;
	s10 =	sld [smem:$0x3FB6];
	_ =	sdelay $0x3  }
0x37: {  	[smem:$0x3FB6] =	sst s10  }
0x38: {  	s10 =	sld [smem:$0x3FB7]  }
0x39: {  	_ = 	snop;
	(pc) =	sbr.ind lr, $3  }
0x3a: {  	_ = 	snop  }
0x3b: {  	_ = 	snop  }
0x3c: {  	p2 =	seq.s32 s10, $0x1;
	s10 =	sld [smem:$0x3FB6]  }
0x3d: {  	_ =	shalt  }
0x3e: {  	_ =	shalt  }
0x3f: {  	_ =	shalt  }
0x40: {  	_ =	shalt  }
0x41: {  	_ =	shalt  }
0x42: {  	_ =	shalt  }
0x43: {  	_ =	shalt  }
0x44: {  	_ =	shalt  }
0x45: {  	_ =	shalt  }
0x46: {  	_ =	shalt  }
0x47: {  	_ =	shalt  }
0x48: {  	_ =	shalt  }
0x49: {  	_ =	shalt  }
0x4a: {  	_ =	shalt  }
0x4b: {  	_ =	shalt  }
0x4c: {  	_ =	shalt  }
0x4d: {  	_ =	shalt  }
0x4e: {  	_ =	shalt  }
0x4f: {  	_ =	shalt  }
0x50: {  	_ =	shalt  }
0x51: {  	_ =	shalt  }
0x52: {  	_ =	shalt  }
0x53: {  	_ =	shalt  }
0x54: {  	_ =	shalt  }
0x55: {  	_ =	shalt  }
0x56: {  	_ =	shalt  }
0x57: {  	_ =	shalt  }
0x58: {  	_ =	shalt  }
0x59: {  	_ =	shalt  }
0x5a: {  	_ =	shalt  }
0x5b: {  	_ =	shalt  }
0x5c: {  	_ =	shalt  }
0x5d: {  	_ =	shalt  }
0x5e: {  	_ =	shalt  }
0x5f: {  	_ =	shalt  }
0x60: {  	_ =	shalt  }
0x61: {  	_ =	shalt  }
0x62: {  	_ =	shalt  }
0x63: {  	_ =	shalt  }
0x64: {  	_ =	shalt  }
0x65: {  	_ =	shalt  }
0x66: {  	_ =	shalt  }
0x67: {  	_ =	shalt  }
0x68: {  	_ =	shalt  }
0x69: {  	_ =	shalt  }
0x6a: {  	_ =	shalt  }
0x6b: {  	_ =	shalt  }
0x6c: {  	_ =	shalt  }
0x6d: {  	_ =	shalt  }
0x6e: {  	_ =	shalt  }
0x6f: {  	_ =	shalt  }
0x70: {  	_ =	shalt  }
0x71: {  	_ =	shalt  }
0x72: {  	_ =	shalt  }
0x73: {  	_ =	shalt  }
0x74: {  	_ =	shalt  }
0x75: {  	_ =	shalt  }
0x76: {  	_ =	shalt  }
0x77: {  	_ =	shalt  }
0x78: {  	_ =	shalt  }
0x79: {  	_ =	shalt  }
0x7a: {  	_ =	shalt  }
0x7b: {  	_ =	shalt  }
0x7c: {  	_ =	shalt  }
0x7d: {  	_ =	shalt  }
0x7e: {  	_ =	shalt  }
0x7f: {  	_ =	shalt  }
0x80: {  	_ =	shalt  }
0x81: {  	_ =	shalt  }
0x82: {  	_ =	shalt  }
0x83: {  	_ =	shalt  }
0x84: {  	_ =	shalt  }
0x85: {  	_ =	shalt  }
0x86: {  	_ =	shalt  }
0x87: {  	_ =	shalt  }
.Lfunc_end0:
.L_simem_size_0:
called_computation.1_lowered:
.L_overlay_start_0:
0x88: {  	s2 =	sld [smem:$0x3FD9]  }
0x89: {  	s3 =	sld [smem:$0x3FFE];
	_ =	sdelay $0x1  }
0x8a: {  	s1 =	srdreg.scid  }
0x8b: {  	s0 =	sand.u32 $0x1, s1  }
0x8c: {  	s17 =	sshll.u32 s0, $0xA;
	s2 =	sadd.s32 s3, s2  }
0x8d: {  	s2 =	sadd.s32 s2, s17  }
0x8e: {  	[smem:$0x3FC2] =	sst s2  }
0x8f: {  	_ = 	snop  }
0x90: {  	s2 =	sld [smem:$0x3FD0];
	(tm) =	ssettm $0x1  }
0x91: {  	s18 =	sld [smem:$0x3FFB];
	_ =	sdelay $0x3  }
0x92: {  	_ =	strace s18  }
0x93: {  	s3 =	sld [smem:$0x3FFC];
	_ =	sdelay $0x3  }
0x94: {  	_ =	strace s3  }
0x95: {  	s3 =	sld [smem:$0x3FFD];
	_ =	sdelay $0x3  }
0x96: {  	_ =	strace s3  }
0x97: {  	_ =	strace $0x8FFFFFFF  }
0x98: {  	s19 =	sld [smem:$0x3FDB];
	_ =	sdelay $0x1  }
0x99: {  	s4 =	simm.s32 $_scs_section_size  }
0x9a: {  	s5 =	simm.s32 $_size__tile_overlayer_lowered;
	s6 =	simm.s32 $_tile_overlayer_lowered  }
0x9b: {  	s22 =	simm.s32 $0x1BFF;
	s21 =	sshll.u32 s6, $0x1;
	s3 =	sadd.s32 s4, s19  }
0x9c: {  	s7 =	simm.s32 $0x0;
	s20 =	sshll.u32 s5, $0x1;
	s5 =	sadd.s32 s21, s3  }
0x9d: {  	[timem:s7], [sflag:s22] =	dma.local [hbm:s5], s20  }
0x9e: {  	_ =	swait.ge [sflag:s22], s20  }
0x9f: {  	s4 =	ssub.s32 $0x0, s20;
	[sflag:s22] =	ssyncset.done $0x0  }
0xa0: {  	[sflag:s22] =	ssyncadd.s32 s4;
	_ =	sdelay $0x1  }
0xa1: {  	s23 =	simm.s32 $0x1B8B  }
0xa2: {  	_ =	swait.ge [sflag:s23], $0x1  }
0xa3: {  	[sflag:s23] =	ssyncset.done $0x0  }
0xa4: {  	s25 =	simm.s32 $0x1B8E;
	s24 =	sld [smem:$0x3FFE];
	[sflag:s23] =	ssyncadd.s32 $0xFFFFFFFF  }
0xa5: {  	s26 =	simm.s32 $execute0_lowered;
	[smem:$0x3FD2] =	sst s25  }
0xa6: {  	s5 =	sshll.u32 s26, $0x1;
	_ =	strace $0x80000049;
	[dreg:$0x1] =	wrdreg $0xFFFFFFFF  }
0xa7: {  	s28 =	simm.s32 $_size_execute0_lowered;
	s3 =	sadd.s32 s3, s5;
	[dreg:$0x0] =	wrdreg $0x0  }
0xa8: {  	s5 =	sshll.u32 s28, $0x1;
	[dreg:$0x2] =	wrdreg s3  }
0xa9: {  	[dreg:$0x3] =	wrdreg s5  }
0xaa: {  	[dreg:$0x4] =	wrdreg $0xC0  }
0xab: {  	_ =	task [dreg:s7], $0x5FFFF  }
0xac: {  	[dreg:$0x1] =	wrdreg $0xFFFFFFFF  }
0xad: {  	[dreg:$0x0] =	wrdreg $0x60  }
0xae: {  	[dreg:$0x2] =	wrdreg s2  }
0xaf: {  	[dreg:$0x3] =	wrdreg s24  }
0xb0: {  	[dreg:$0x4] =	wrdreg $0x90000  }
0xb1: {  	[dreg:$0x5] =	wrdreg $0x9  }
0xb2: {  	_ =	task.clear_ibuf [dreg:s7], $0x6FFFF;
	_ =	strace $0x90000049  }
0xb3: {  	s29 =	simm.s32 $0x9;
	_ =	strace $0x8000004B  }
0xb4: {  	_ =	swait.ge [sflag:s29], $0x1  }
0xb5: {  	[sflag:s29] =	ssyncadd.s32 $0xFFFFFFFF  }
0xb6: {  	_ =	strace $0x9000004B  }
0xb7: {  	_ =	sfence  }
0xb8: {  	s30 =	sld [smem:$0x0];
	_ =	sdelay $0x2  }
0xb9: {  	s31 =	sshll.u32 s1, $0xD;
	s1 =	sshrl.u32 s1, $0x2  }
0xba: {  	s3 =	sand.u32 $0x4000, s31;
	s1 =	sadd.s32 s1, s30  }
0xbb: {  	s0 =	sor.u32 s3, s0;
	s1 =	sshll.u32 s1, $0x11  }
0xbc: {  	s0 =	sor.u32 s1, s0  }
0xbd: {  	s0 =	sadd.s32 $0x8F2B, s0  }
0xbe: {  	[sflag:s0] =	ssyncadd.remote.s32 $0x1  }
0xbf: {  	_ =	sfence.sel $0xFFFF  }
0xc0: {  	[dreg:$0x0] =	wrdreg $0xFFFFFFFF;
	(pc) =	sbr.abs _section_cstart, $3  }
0xc1: {  	[dreg:$0x1] =	wrdreg $0xFFFFFFFF  }
0xc2: {  	_ =	task.clear_ibuf [dreg:s7], $0x2FFFF;
	_ =	strace $0x9FFFFFFF  }
0xc3: {  	(tm) =	ssettm $0x7FFFFFFF  }
tec
execute0_lowered:
.L_overlay_start_1:
0x0: {  	(tag) =	ssettag $0x1  }
0x1: {  	s10 =	rddreg [dreg:$0x0]  }
0x2: {  	s5 =	rddreg [dreg:$0x1]  }
0x3: {  	s2 =	rddreg [dreg:$0x2];
	s3 =	simm.s32 $0x0  }
0x4: {  	s0 =	stileid.u32;
	s4 =	srdreg.scid;
	s31 =	simm.s32 $0x3  }
0x5: {  	s19 =	simm.s32 $0x5;
	s20 =	simm.s32 $0x1000;
	s21 =	simm.s32 $0x5000  }
0x6: {  	s22 =	simm.s32 $0x1;
	s23 =	simm.s32 $0x2;
	s6 =	smul.u32 $0x14000, s0  }
0x7: {  	[smem:$0x7FF] =	sst s3;
	s16 =	sand.u32 $0x1, s4;
	s12 =	smul.u32 $0x13, s0  }
0x8: {  	s11 =	sadd.s32 $0xBA00, s5;
	s4 =	sadd.s32 $0x15A00, s5;
	s14 =	smul.u32 $0x50000, s0  }
0x9: {  	s13 =	sor.u32 $0x130, s0;
	s26 =	smul.u32 $0x4C00, s0;
	s28 =	sshll.u32 s0, $0x6  }
0xa: {  	_ =	strace $0x8000004A;
	s7 =	smul.u32 $0x140000, s16;
	[dreg:$0x4] =	wrdreg s31  }
0xb: {  	s24 =	ssub.s32 $0x2, s16;
	p0 =	seq.s32 s16, $0x0;
	[dreg:$0x5] =	wrdreg s19  }
0xc: {  	s19 =	simm.s32 $0x80;
	s8 =	sshrl.u32 s6, $0x3;
	s9 =	sshrl.u32 s24, $0x1  }
0xd: {  	s13 =	smov.u32 @p0 s12;
	s25 =	sshrl.u32 s14, $0x2;
	s30 =	sshrl.u32 s26, $0x3  }
0xe: {  	s8 =	sadd.s32 s8, s5;
	s6 =	sadd.s32 s6, s7;
	s17 =	ssub.s32 s24, s9  }
0xf: {  	s18 =	sadd.s32 s25, s2;
	s29 =	sshll.u32 s13, $0x7;
	s7 =	sor.u32 $0x1C07, s28  }
0x10: {  	s12 =	sadd.s32 $0x80, s30;
	s24 =	simm.s32 $0x0;
	s6 =	sshrl.u32 s6, $0x3  }
0x11: {  	s9 =	sadd.s32 s11, s29;
	s11 =	sadd.s32 s11, s12;
	s13 =	smax.u32 s17, $0x1  }
0x12: {  	s17 =	simm.s32 $0x7;
	s15 =	sadd.s32 s6, s5;
	s5 =	simm.s32 $0x13  }
0x13: {  	s6 =	sadd.s32 $0x3DA00, s8;
	s8 =	sadd.s32 s10, s29;
	s10 =	sadd.s32 s10, s12  }
0x14: {  	s14 =	sadd.s32 $0x100, s9;
	s5 =	simm.s32 @!p0 $0x1;
	s12 =	sadd.s32 $0x65A00, s15  }
0x15: {  	s15 =	sadd.s32 $0x100, s8;
	p0 =	sne.s32 s16, $0x0;
	s16 =	sshrl.u32 s18, $0x3  }
.LBB2_1:
0x16: {  	[spmem:s16], [sflag:s7] =	dma.local [hbm:s6], $0x2800  }
0x17: {  	_ =	swait.ge [sflag:s17], $0x2800  }
0x18: {  	[sflag:s17] =	ssyncset.done $0x0  }
0x19: {  	[sflag:s17] =	ssyncadd.s32 $0xFFFFD800  }
0x1a: {  	[tilespmem:s3], [sflag:$0x3] =	stream.linear.gather [hbm4b:s8+s3], $0x400, $0x38;
	[tilespmem:$0x1D000] =	vst v63  }
0x1b: {  	s0 =	simm.s32 $0x800  }
0x1c: {  	[tilespmem:s0], [sflag:$0x5] =	stream.linear.gather [hbm4b:s9+s3], $0x400, $0x38;
	[tilespmem:$0x1D000] =	vst v63  }
0x1d: {  	s25 =	simm.s32 @!p0 $0x0;
	s26 =	simm.s32 @!p0 $0x400  }
0x1e: {  	[tilespmem:s26], [sflag:$0x4] =	stream.linear.gather @!p0 [hbm4b:s10+s25], $0x400, $0x38;
	[tilespmem:$0x1D000] =	vst v63  }
0x1f: {  	s26 =	simm.s32 @!p0 $0xC00  }
0x20: {  	[tilespmem:s26], [sflag:$0x6] =	stream.linear.gather @!p0 [hbm4b:s11+s25], $0x400, $0x38;
	[tilespmem:$0x1D000] =	vst v63  }
0x21: {  	s25 =	sand.u32 $0x1, s3;
	[bflag:$0x0] =	sbarrier.arrive $0xFFFF  }
0x22: {  	p1 =	seq.s32 s25, $0x0;
	s26 =	rddreg [dreg:$0x4]  }
0x23: {  	s26 =	simm.s32 @!p1 $0x4  }
0x24: {  	s28 =	rddreg [dreg:$0x5];
	_ =	swait.ge [sflag:s26], $0x400  }
0x25: {  	[sflag:s26] =	ssyncset.done $0x0  }
0x26: {  	s28 =	simm.s32 @!p1 $0x6;
	[sflag:s26] =	ssyncadd.s32 $0xFFFFFC00  }
0x27: {  	_ =	swait.ge [sflag:s28], $0x400  }
0x28: {  	[sflag:s28] =	ssyncset.done $0x0  }
0x29: {  	s31 =	sshll.u32 s25, $0xA;
	[sflag:s28] =	ssyncadd.s32 $0xFFFFFC00  }
0x2a: {  	[tilespmem:s20], [sflag:$0x1] =	stream.indirect.gather [hbm4b:s4+s19], $0x80, s31, s19, $0xb8;
	[tilespmem:$0x1D000] =	vst v63  }
0x2b: {  	s28 =	sor.u32 $0x80, s31  }
0x2c: {  	[tilespmem:s21], [sflag:$0x2] =	stream.indirect.gather [hbm4b:s4+s19], $0x80, s28, s19, $0xb8;
	[tilespmem:$0x1D000] =	vst v63  }
0x2d: {  	_ =	swait.ge [sflag:s22], $0x4000  }
0x2e: {  	[sflag:s22] =	ssyncset.done $0x0  }
0x2f: {  	s28 =	sor.u32 $0x800, s31;
	[sflag:s22] =	ssyncadd.s32 $0xFFFFC000  }
0x30: {  	[spmem:s2] =	stream.indirect.scatter.add.f32 [tilespmem:s20], [sflag:$0x7], $0x80, s28, s19, $0xb8;
	[tilespmem:$0x1D000] =	vst v63  }
0x31: {  	_ =	swait.ge [sflag:s17], $0x4000  }
0x32: {  	[sflag:s17] =	ssyncset.done $0x0  }
0x33: {  	s28 =	sor.u32 $0x100, s31;
	[sflag:s17] =	ssyncadd.s32 $0xFFFFC000  }
0x34: {  	[tilespmem:s20], [sflag:$0x1] =	stream.indirect.gather [hbm4b:s4+s19], $0x80, s28, s19, $0xb8;
	[tilespmem:$0x1D000] =	vst v63  }
0x35: {  	_ =	swait.ge [sflag:s23], $0x4000  }
0x36: {  	[sflag:s23] =	ssyncset.done $0x0  }
0x37: {  	s28 =	sor.u32 $0x880, s31;
	[sflag:s23] =	ssyncadd.s32 $0xFFFFC000  }
0x38: {  	[spmem:s2] =	stream.indirect.scatter.add.f32 [tilespmem:s21], [sflag:$0x7], $0x80, s28, s19, $0xb8;
	[tilespmem:$0x1D000] =	vst v63  }
0x39: {  	_ =	swait.ge [sflag:s17], $0x4000  }
0x3a: {  	[sflag:s17] =	ssyncset.done $0x0  }
0x3b: {  	s28 =	sor.u32 $0x180, s31;
	[sflag:s17] =	ssyncadd.s32 $0xFFFFC000  }
0x3c: {  	[tilespmem:s21], [sflag:$0x2] =	stream.indirect.gather [hbm4b:s4+s19], $0x80, s28, s19, $0xb8;
	[tilespmem:$0x1D000] =	vst v63  }
0x3d: {  	_ =	swait.ge [sflag:s22], $0x4000  }
0x3e: {  	[sflag:s22] =	ssyncset.done $0x0  }
0x3f: {  	s28 =	sor.u32 $0x900, s31;
	[sflag:s22] =	ssyncadd.s32 $0xFFFFC000  }
0x40: {  	[spmem:s2] =	stream.indirect.scatter.add.f32 [tilespmem:s20], [sflag:$0x7], $0x80, s28, s19, $0xb8;
	[tilespmem:$0x1D000] =	vst v63  }
0x41: {  	_ =	swait.ge [sflag:s17], $0x4000  }
0x42: {  	[sflag:s17] =	ssyncset.done $0x0  }
0x43: {  	s28 =	sor.u32 $0x200, s31;
	[sflag:s17] =	ssyncadd.s32 $0xFFFFC000  }
0x44: {  	[tilespmem:s20], [sflag:$0x1] =	stream.indirect.gather [hbm4b:s4+s19], $0x80, s28, s19, $0xb8;
	[tilespmem:$0x1D000] =	vst v63  }
0x45: {  	_ =	swait.ge [sflag:s23], $0x4000  }
0x46: {  	[sflag:s23] =	ssyncset.done $0x0  }
0x47: {  	s28 =	sor.u32 $0x980, s31;
	[sflag:s23] =	ssyncadd.s32 $0xFFFFC000  }
0x48: {  	[spmem:s2] =	stream.indirect.scatter.add.f32 [tilespmem:s21], [sflag:$0x7], $0x80, s28, s19, $0xb8;
	[tilespmem:$0x1D000] =	vst v63  }
0x49: {  	_ =	swait.ge [sflag:s17], $0x4000  }
0x4a: {  	[sflag:s17] =	ssyncset.done $0x0  }
0x4b: {  	s28 =	sor.u32 $0x280, s31;
	[sflag:s17] =	ssyncadd.s32 $0xFFFFC000  }
0x4c: {  	[tilespmem:s21], [sflag:$0x2] =	stream.indirect.gather [hbm4b:s4+s19], $0x80, s28, s19, $0xb8;
	[tilespmem:$0x1D000] =	vst v63  }
0x4d: {  	_ =	swait.ge [sflag:s22], $0x4000  }
0x4e: {  	[sflag:s22] =	ssyncset.done $0x0  }
0x4f: {  	s28 =	sor.u32 $0xA00, s31;
	[sflag:s22] =	ssyncadd.s32 $0xFFFFC000  }
0x50: {  	[spmem:s2] =	stream.indirect.scatter.add.f32 [tilespmem:s20], [sflag:$0x7], $0x80, s28, s19, $0xb8;
	[tilespmem:$0x1D000] =	vst v63  }
0x51: {  	_ =	swait.ge [sflag:s17], $0x4000  }
0x52: {  	[sflag:s17] =	ssyncset.done $0x0  }
0x53: {  	s28 =	sor.u32 $0x300, s31;
	[sflag:s17] =	ssyncadd.s32 $0xFFFFC000  }
0x54: {  	[tilespmem:s20], [sflag:$0x1] =	stream.indirect.gather [hbm4b:s4+s19], $0x80, s28, s19, $0xb8;
	[tilespmem:$0x1D000] =	vst v63  }
0x55: {  	_ =	swait.ge [sflag:s23], $0x4000  }
0x56: {  	[sflag:s23] =	ssyncset.done $0x0  }
0x57: {  	s28 =	sor.u32 $0xA80, s31;
	[sflag:s23] =	ssyncadd.s32 $0xFFFFC000  }
0x58: {  	[spmem:s2] =	stream.indirect.scatter.add.f32 [tilespmem:s21], [sflag:$0x7], $0x80, s28, s19, $0xb8;
	[tilespmem:$0x1D000] =	vst v63  }
0x59: {  	_ =	swait.ge [sflag:s17], $0x4000  }
0x5a: {  	[sflag:s17] =	ssyncset.done $0x0  }
0x5b: {  	s28 =	sor.u32 $0x380, s31;
	[sflag:s17] =	ssyncadd.s32 $0xFFFFC000  }
0x5c: {  	[tilespmem:s21], [sflag:$0x2] =	stream.indirect.gather [hbm4b:s4+s19], $0x80, s28, s19, $0xb8;
	[tilespmem:$0x1D000] =	vst v63  }
0x5d: {  	_ =	swait.ge [sflag:s22], $0x4000  }
0x5e: {  	[sflag:s22] =	ssyncset.done $0x0  }
0x5f: {  	s28 =	sor.u32 $0xB00, s31;
	[sflag:s22] =	ssyncadd.s32 $0xFFFFC000  }
0x60: {  	[spmem:s2] =	stream.indirect.scatter.add.f32 [tilespmem:s20], [sflag:$0x7], $0x80, s28, s19, $0xb8;
	[tilespmem:$0x1D000] =	vst v63  }
0x61: {  	_ =	swait.ge [sflag:s17], $0x4000  }
0x62: {  	[sflag:s17] =	ssyncset.done $0x0  }
0x63: {  	[sflag:s17] =	ssyncadd.s32 $0xFFFFC000  }
0x64: {  	_ =	swait.ge [sflag:s23], $0x4000  }
0x65: {  	p4 =	sne.s32 s5, $0x1;
	p1 =	sle.u32 s5, $0x2;
	[sflag:s23] =	ssyncset.done $0x0  }
0x66: {  	p2 =	sne.s32 @!p1 s25, $0x0;
	s26 =	sor.u32 $0xB80, s31;
	[sflag:s23] =	ssyncadd.s32 $0xFFFFC000  }
0x67: {  	[spmem:s2] =	stream.indirect.scatter.add.f32 [tilespmem:s21], [sflag:$0x7], $0x80, s26, s19, $0xb8;
	[tilespmem:$0x1D000] =	vst v63  }
.Ltmp0:
0x68: {  	p3 =	por !p2, p1;
	_ =	swait.ge [sflag:s17], $0x4000;
	(pc) =	sbr.rel @!p4 .LBB2_3-.Ltmp0, $4  }
0x69: {  	p2 =	por p2, p1;
	s29 =	simm.s32 @!p3 $0x0;
	[sflag:s17] =	ssyncset.done $0x0  }
0x6a: {  	s25 =	simm.s32 @!p3 $0x400;
	s30 =	simm.s32 @!p3 $0xC00;
	[sflag:s17] =	ssyncadd.s32 $0xFFFFC000  }
0x6b: {  	[tilespmem:s25], [sflag:$0x4] =	stream.linear.gather @!p3 [hbm4b:s15+s29], $0x400, $0x38;
	[tilespmem:$0x1D000] =	vst v63  }
0x6c: {  	s28 =	smov.u32 s15;
	s26 =	simm.s32 $0x1;
	s25 =	smov.u32 s14  }
.LBB2_2:
0x6d: {  	[tilespmem:s30], [sflag:$0x6] =	stream.linear.gather @!p3 [hbm4b:s25+s29], $0x400, $0x38;
	[tilespmem:$0x1D000] =	vst v63  }
0x6e: {  	s29 =	sand.u32 $0x1, s26  }
0x6f: {  	s31 =	rddreg [dreg:$0x4];
	s0 =	simm.s32 @!p2 $0x0;
	p3 =	seq.s32 s29, $0x0  }
0x70: {  	[tilespmem:s0], [sflag:$0x3] =	stream.linear.gather @!p2 [hbm4b:s28+s0], $0x400, $0x38;
	[tilespmem:$0x1D000] =	vst v63  }
0x71: {  	s1 =	simm.s32 @!p2 $0x800;
	s31 =	simm.s32 @!p3 $0x4  }
0x72: {  	[tilespmem:s1], [sflag:$0x5] =	stream.linear.gather @!p2 [hbm4b:s25+s0], $0x400, $0x38;
	[tilespmem:$0x1D000] =	vst v63  }
0x73: {  	s18 =	rddreg [dreg:$0x5];
	_ =	swait.ge [sflag:s31], $0x400  }
0x74: {  	[sflag:s31] =	ssyncset.done $0x0  }
0x75: {  	s18 =	simm.s32 @!p3 $0x6;
	[sflag:s31] =	ssyncadd.s32 $0xFFFFFC00  }
0x76: {  	_ =	swait.ge [sflag:s18], $0x400  }
0x77: {  	[sflag:s18] =	ssyncset.done $0x0  }
0x78: {  	s31 =	sshll.u32 s29, $0xA;
	[sflag:s18] =	ssyncadd.s32 $0xFFFFFC00  }
0x79: {  	[tilespmem:s20], [sflag:$0x1] =	stream.indirect.gather [hbm4b:s4+s19], $0x80, s31, s19, $0xb8;
	[tilespmem:$0x1D000] =	vst v63  }
0x7a: {  	s18 =	sor.u32 $0x80, s31  }
0x7b: {  	[tilespmem:s21], [sflag:$0x2] =	stream.indirect.gather [hbm4b:s4+s19], $0x80, s18, s19, $0xb8;
	[tilespmem:$0x1D000] =	vst v63  }
0x7c: {  	_ =	swait.ge [sflag:s22], $0x4000  }
0x7d: {  	[sflag:s22] =	ssyncset.done $0x0  }
0x7e: {  	s1 =	sor.u32 $0x800, s31;
	[sflag:s22] =	ssyncadd.s32 $0xFFFFC000  }
0x7f: {  	[spmem:s2] =	stream.indirect.scatter.add.f32 [tilespmem:s20], [sflag:$0x7], $0x80, s1, s19, $0xb8;
	[tilespmem:$0x1D000] =	vst v63  }
0x80: {  	_ =	swait.ge [sflag:s17], $0x4000  }
0x81: {  	[sflag:s17] =	ssyncset.done $0x0  }
0x82: {  	s18 =	sor.u32 $0x100, s31;
	[sflag:s17] =	ssyncadd.s32 $0xFFFFC000  }
0x83: {  	[tilespmem:s20], [sflag:$0x1] =	stream.indirect.gather [hbm4b:s4+s19], $0x80, s18, s19, $0xb8;
	[tilespmem:$0x1D000] =	vst v63  }
0x84: {  	_ =	swait.ge [sflag:s23], $0x4000  }
0x85: {  	[sflag:s23] =	ssyncset.done $0x0  }
0x86: {  	s1 =	sor.u32 $0x880, s31;
	[sflag:s23] =	ssyncadd.s32 $0xFFFFC000  }
0x87: {  	[spmem:s2] =	stream.indirect.scatter.add.f32 [tilespmem:s21], [sflag:$0x7], $0x80, s1, s19, $0xb8;
	[tilespmem:$0x1D000] =	vst v63  }
0x88: {  	_ =	swait.ge [sflag:s17], $0x4000  }
0x89: {  	[sflag:s17] =	ssyncset.done $0x0  }
0x8a: {  	s18 =	sor.u32 $0x180, s31;
	[sflag:s17] =	ssyncadd.s32 $0xFFFFC000  }
0x8b: {  	[tilespmem:s21], [sflag:$0x2] =	stream.indirect.gather [hbm4b:s4+s19], $0x80, s18, s19, $0xb8;
	[tilespmem:$0x1D000] =	vst v63  }
0x8c: {  	_ =	swait.ge [sflag:s22], $0x4000  }
0x8d: {  	[sflag:s22] =	ssyncset.done $0x0  }
0x8e: {  	s1 =	sor.u32 $0x900, s31;
	[sflag:s22] =	ssyncadd.s32 $0xFFFFC000  }
0x8f: {  	[spmem:s2] =	stream.indirect.scatter.add.f32 [tilespmem:s20], [sflag:$0x7], $0x80, s1, s19, $0xb8;
	[tilespmem:$0x1D000] =	vst v63  }
0x90: {  	_ =	swait.ge [sflag:s17], $0x4000  }
0x91: {  	[sflag:s17] =	ssyncset.done $0x0  }
0x92: {  	s18 =	sor.u32 $0x200, s31;
	[sflag:s17] =	ssyncadd.s32 $0xFFFFC000  }
0x93: {  	[tilespmem:s20], [sflag:$0x1] =	stream.indirect.gather [hbm4b:s4+s19], $0x80, s18, s19, $0xb8;
	[tilespmem:$0x1D000] =	vst v63  }
0x94: {  	_ =	swait.ge [sflag:s23], $0x4000  }
0x95: {  	[sflag:s23] =	ssyncset.done $0x0  }
0x96: {  	s1 =	sor.u32 $0x980, s31;
	[sflag:s23] =	ssyncadd.s32 $0xFFFFC000  }
0x97: {  	[spmem:s2] =	stream.indirect.scatter.add.f32 [tilespmem:s21], [sflag:$0x7], $0x80, s1, s19, $0xb8;
	[tilespmem:$0x1D000] =	vst v63  }
0x98: {  	_ =	swait.ge [sflag:s17], $0x4000  }
0x99: {  	[sflag:s17] =	ssyncset.done $0x0  }
0x9a: {  	s18 =	sor.u32 $0x280, s31;
	[sflag:s17] =	ssyncadd.s32 $0xFFFFC000  }
0x9b: {  	[tilespmem:s21], [sflag:$0x2] =	stream.indirect.gather [hbm4b:s4+s19], $0x80, s18, s19, $0xb8;
	[tilespmem:$0x1D000] =	vst v63  }
0x9c: {  	_ =	swait.ge [sflag:s22], $0x4000  }
0x9d: {  	[sflag:s22] =	ssyncset.done $0x0  }
0x9e: {  	s1 =	sor.u32 $0xA00, s31;
	[sflag:s22] =	ssyncadd.s32 $0xFFFFC000  }
0x9f: {  	[spmem:s2] =	stream.indirect.scatter.add.f32 [tilespmem:s20], [sflag:$0x7], $0x80, s1, s19, $0xb8;
	[tilespmem:$0x1D000] =	vst v63  }
0xa0: {  	_ =	swait.ge [sflag:s17], $0x4000  }
0xa1: {  	[sflag:s17] =	ssyncset.done $0x0  }
0xa2: {  	s18 =	sor.u32 $0x300, s31;
	[sflag:s17] =	ssyncadd.s32 $0xFFFFC000  }
0xa3: {  	[tilespmem:s20], [sflag:$0x1] =	stream.indirect.gather [hbm4b:s4+s19], $0x80, s18, s19, $0xb8;
	[tilespmem:$0x1D000] =	vst v63  }
0xa4: {  	_ =	swait.ge [sflag:s23], $0x4000  }
0xa5: {  	[sflag:s23] =	ssyncset.done $0x0  }
0xa6: {  	s1 =	sor.u32 $0xA80, s31;
	[sflag:s23] =	ssyncadd.s32 $0xFFFFC000  }
0xa7: {  	[spmem:s2] =	stream.indirect.scatter.add.f32 [tilespmem:s21], [sflag:$0x7], $0x80, s1, s19, $0xb8;
	[tilespmem:$0x1D000] =	vst v63  }
0xa8: {  	_ =	swait.ge [sflag:s17], $0x4000  }
0xa9: {  	[sflag:s17] =	ssyncset.done $0x0  }
0xaa: {  	s18 =	sor.u32 $0x380, s31;
	[sflag:s17] =	ssyncadd.s32 $0xFFFFC000  }
0xab: {  	[tilespmem:s21], [sflag:$0x2] =	stream.indirect.gather [hbm4b:s4+s19], $0x80, s18, s19, $0xb8;
	[tilespmem:$0x1D000] =	vst v63  }
0xac: {  	_ =	swait.ge [sflag:s22], $0x4000  }
0xad: {  	[sflag:s22] =	ssyncset.done $0x0  }
0xae: {  	s1 =	sor.u32 $0xB00, s31;
	[sflag:s22] =	ssyncadd.s32 $0xFFFFC000  }
0xaf: {  	[spmem:s2] =	stream.indirect.scatter.add.f32 [tilespmem:s20], [sflag:$0x7], $0x80, s1, s19, $0xb8;
	[tilespmem:$0x1D000] =	vst v63  }
0xb0: {  	_ =	swait.ge [sflag:s17], $0x4000  }
0xb1: {  	[sflag:s17] =	ssyncset.done $0x0  }
0xb2: {  	[sflag:s17] =	ssyncadd.s32 $0xFFFFC000  }
0xb3: {  	s30 =	smov.u32 s26;
	s26 =	sadd.s32 $0x1, s26;
	_ =	swait.ge [sflag:s23], $0x4000  }
0xb4: {  	s18 =	sor.u32 $0xB80, s31;
	s31 =	sadd.s32 $0x2, s30;
	[sflag:s23] =	ssyncset.done $0x0  }
0xb5: {  	p1 =	sne.s32 s5, s26;
	p2 =	sge.u32 s31, s5;
	[sflag:s23] =	ssyncadd.s32 $0xFFFFC000  }
0xb6: {  	[spmem:s2] =	stream.indirect.scatter.add.f32 [tilespmem:s21], [sflag:$0x7], $0x80, s18, s19, $0xb8;
	[tilespmem:$0x1D000] =	vst v63  }
.Ltmp1:
0xb7: {  	s28 =	sadd.s32 $0x80, s28;
	p4 =	sne.s32 @!p2 s29, $0x0;
	(pc) =	sbr.rel @p1 .LBB2_2-.Ltmp1, $4  }
0xb8: {  	s25 =	sadd.s32 $0x80, s25;
	p3 =	por !p4, p2;
	_ =	swait.ge [sflag:s17], $0x4000  }
0xb9: {  	p2 =	por p4, p2;
	s29 =	simm.s32 @!p3 $0x0;
	[sflag:s17] =	ssyncset.done $0x0  }
0xba: {  	s0 =	simm.s32 @!p3 $0x400;
	s30 =	simm.s32 @!p3 $0xC00;
	[sflag:s17] =	ssyncadd.s32 $0xFFFFC000  }
0xbb: {  	[tilespmem:s0], [sflag:$0x4] =	stream.linear.gather @!p3 [hbm4b:s28+s29], $0x400, $0x38;
	[tilespmem:$0x1D000] =	vst v63  }
.LBB2_3:
0xbc: {  	[tilespmem:s30], [sflag:$0x6] =	stream.linear.gather @!p3 [hbm4b:s25+s29], $0x400, $0x38;
	[tilespmem:$0x1D000] =	vst v63  }
0xbd: {  	s0 =	simm.s32 @!p2 $0x0;
	s24 =	sadd.s32 $0x1, s24  }
0xbe: {  	[tilespmem:s0], [sflag:$0x3] =	stream.linear.gather @!p2 [hbm4b:s28+s0], $0x400, $0x38;
	[tilespmem:$0x1D000] =	vst v63  }
0xbf: {  	s1 =	simm.s32 @!p2 $0x800;
	p1 =	sne.s32 s24, s13  }
0xc0: {  	[tilespmem:s1], [sflag:$0x5] =	stream.linear.gather @!p2 [hbm4b:s25+s0], $0x400, $0x38;
	[tilespmem:$0x1D000] =	vst v63  }
.Ltmp2:
0xc1: {  	[bflag:$0x0] =	sbarrier.arrive $0xFFFF;
	(pc) =	sbr.rel @p1 .LBB2_1-.Ltmp2, $4  }
0xc2: {  	[hbm:s12], [sflag:s7] =	dma.local [spmem:s16], $0x2800  }
0xc3: {  	_ =	swait.ge [sflag:s17], $0x2800  }
0xc4: {  	[sflag:s17] =	ssyncset.done $0x0  }
0xc5: {  	[sflag:s17] =	ssyncadd.s32 $0xFFFFD800  }
0xc6: {  	_ =	sfence.sel $0x180000  }
0xc7: {  	[bflag:$0x0] =	sbarrier.arrive $0xFFFF  }
0xc8: {  	_ =	strace $0x9000004A  }
0xc9: {  	s0 =	stileid.u32;
	[bflag:$0x2] =	sbarrier.arrive $0xFFFF  }
0xca: {  	p0 =	sne.s32 s0, $0x0;
	s0 =	rddreg [dreg:$0x3]  }
0xcb: {  	s0 =	sadd.s32 @!p0 $0x100000, s0  }
0xcc: {  	[sflag:s0] =	ssyncadd.tile.s32 @!p0 $0x1;
	_ =	shalt  }
.Lfunc_end2:
_tile_overlayer_lowered:
.L_overlay_start_2:
0xcd: {  	(tag) =	ssettag $0x2  }
0xce: {  	s0 =	rddreg [dreg:$0x0];
	s2 =	stileid.u32  }
0xcf: {  	s1 =	rddreg [dreg:$0x1];
	p0 =	sne.s32 s2, $0x0  }
0xd0: {  	s3 =	rddreg [dreg:$0x2];
	[bflag:$0x3] =	sbarrier.arrive $0xFFFF;
	s2 =	simm.s32 @!p0 $0x1C07  }
0xd1: {  	[timem:s3], [sflag:s2] =	dma.local @!p0 [hbm:s0], s1  }
0xd2: {  	s0 =	simm.s32 @!p0 $0x7  }
0xd3: {  	_ =	swait.ge @!p0 [sflag:s0], s1  }
0xd4: {  	s1 =	ssub.s32 @!p0 $0x0, s1;
	[sflag:s0] =	ssyncset.done @!p0 $0x0  }
0xd5: {  	[sflag:s0] =	ssyncadd.s32 @!p0 s1  }
0xd6: {  	[bflag:$0x3] =	sbarrier.arrive $0xFFFF  }
0xd7: {  	_ =	shalt  }

// kernel: kernel.7.cloned.1.call-start
scs
__scs_entry_jumppad:
0x0: {  	(pc) =	sbr.rel $0x88, $3  }
0x1: {  	(tag) =	ssettag $0x0;
	lr =	simm.s32 $0x1  }
0x2: {  	[smem:$0x3F9B] =	sst lr;
	_ =	strace $0xD0000000  }
0x3: {  	_ = 	snop  }
0x4: {  	_ = 	snop  }
0x5: {  	_ = 	snop  }
0x6: {  	_ = 	snop  }
0x7: {  	_ = 	snop  }
__scs_overlays_trampoline_lowered:
0x8: {  	[smem:$0x3FAA] =	sst s0  }
0x9: {  	[smem:$0x3FAB] =	sst s1  }
0xa: {  	[smem:$0x3FAC] =	sst s2  }
0xb: {  	[smem:$0x3FAD] =	sst s3  }
0xc: {  	[smem:$0x3FAE] =	sst s4  }
0xd: {  	[smem:$0x3FAF] =	sst s5  }
0xe: {  	[smem:$0x3FB0] =	sst s6  }
0xf: {  	[smem:$0x3FB1] =	sst s7  }
0x10: {  	[smem:$0x3FB2] =	sst s8  }
0x11: {  	[smem:$0x3FB3] =	sst s9;
	s0 =	simm.s32 @!p0 $0x0  }
0x12: {  	s1 =	sld [smem:$0x3F99];
	s0 =	simm.s32 @p0 $0x1  }
0x13: {  	[smem:$0x3FB4] =	sst s0;
	s0 =	simm.s32 @!p1 $0x0  }
0x14: {  	s2 =	sld [smem:$0x3F98];
	s0 =	simm.s32 @p1 $0x1  }
0x15: {  	[smem:$0x3FB5] =	sst s0;
	s0 =	simm.s32 @!p2 $0x0  }
0x16: {  	s3 =	sld [smem:$0x3FDB];
	s0 =	simm.s32 @p2 $0x1  }
0x17: {  	s4 =	simm.s32 $0x1BF5;
	[smem:$0x3FB7] =	sst s0  }
0x18: {  	s0 =	sld [smem:$0x3F9A];
	_ =	swait.ge [sflag:s4], $0x0  }
0x19: {  	s7 =	sld [smem:$0x3F9B]  }
0x1a: {  	s8 =	sadd.s32 $0xFFFFE003, lr  }
0x1b: {  	s9 =	sadd.s32 $0xFFFFFEF7, lr;
	s5 =	simm.s32 $0xFFFFFFFF;
	p2 =	slt.u32 s8, $0xFFFFF086  }
0x1c: {  	p1 =	slt.u32 s9, $0xF7A;
	s5 =	simm.s32 @!p2 $0x0  }
0x1d: {  	s5 =	simm.s32 @p1 $0x1;
	p0 =	seq.s32 s7, s2  }
0x1e: {  	s7 =	smul.u32 @!p0 $0xF7A, s2;
	p2 =	seq.s32 @!p0 s5, $0x0  }
0x1f: {  	s9 =	smul.u32 $0xF7A, s1;
	s8 =	simm.s32 @!p0 $0x1BF5;
	p2 =	por !p2, p0  }
0x20: {  	[sflag:s8] =	ssyncset.s32 @!p0 $0xFFFFF086;
	s6 =	sadd.s32 @!p0 s3, s7;
	s7 =	simm.s32 @!p0 $0x108  }
0x21: {  	s3 =	sadd.s32 s3, s9;
	s6 =	sadd.s32 @!p0 $0x88, s6;
	s7 =	simm.s32 @p2 $0x1082  }
0x22: {  	[simem:s7], [sflag:s8] =	dma.local @!p0 [hbm:s6], $0xF7A  }
0x23: {  	s9 =	sor.u32 $0xD0000000, s2;
	s6 =	simm.s32 $0x108;
	_ =	swait.ge @!p0 [sflag:s8], $0x0  }
0x24: {  	s3 =	sadd.s32 $0x88, s3;
	s6 =	simm.s32 @!p1 $0x1082;
	[sflag:s4] =	ssyncset.s32 $0xFFFFF086  }
0x25: {  	[simem:s6], [sflag:s4] =	dma.local [hbm:s3], $0xF7A  }
0x26: {  	[smem:$0x3F9B] =	sst s1;
	(tag) =	ssettag s2;
	_ =	strace s9  }
0x27: {  	s1 =	sld [smem:$0x3FAB]  }
0x28: {  	s2 =	sld [smem:$0x3FAC]  }
0x29: {  	s4 =	sld [smem:$0x3FAE]  }
0x2a: {  	p0 =	seq.s32 s5, $0x0;
	s5 =	sld [smem:$0x3FAF]  }
0x2b: {  	s6 =	sld [smem:$0x3FB0]  }
0x2c: {  	s7 =	sld [smem:$0x3FB1]  }
0x2d: {  	s3 =	simm.s32 $0x108;
	s8 =	sld [smem:$0x3FB2]  }
0x2e: {  	s3 =	simm.s32 @!p0 $0x1082;
	s9 =	sld [smem:$0x3FB3]  }
0x2f: {  	lr =	sadd.s32 s0, s3;
	s0 =	sld [smem:$0x3FAA]  }
0x30: {  	s3 =	sld [smem:$0x3FAD]  }
0x31: {  	[smem:$0x3FB6] =	sst s10  }
0x32: {  	s10 =	sld [smem:$0x3FB4];
	_ =	sdelay $0x3  }
0x33: {  	p0 =	seq.s32 s10, $0x1;
	s10 =	sld [smem:$0x3FB6];
	_ =	sdelay $0x3  }
0x34: {  	[smem:$0x3FB6] =	sst s10  }
0x35: {  	s10 =	sld [smem:$0x3FB5];
	_ =	sdelay $0x3  }
0x36: {  	p1 =	seq.s32 s10, $0x1;
	s10 =	sld [smem:$0x3FB6];
	_ =	sdelay $0x3  }
0x37: {  	[smem:$0x3FB6] =	sst s10  }
0x38: {  	s10 =	sld [smem:$0x3FB7]  }
0x39: {  	_ = 	snop;
	(pc) =	sbr.ind lr, $3  }
0x3a: {  	_ = 	snop  }
0x3b: {  	_ = 	snop  }
0x3c: {  	p2 =	seq.s32 s10, $0x1;
	s10 =	sld [smem:$0x3FB6]  }
0x3d: {  	_ =	shalt  }
0x3e: {  	_ =	shalt  }
0x3f: {  	_ =	shalt  }
0x40: {  	_ =	shalt  }
0x41: {  	_ =	shalt  }
0x42: {  	_ =	shalt  }
0x43: {  	_ =	shalt  }
0x44: {  	_ =	shalt  }
0x45: {  	_ =	shalt  }
0x46: {  	_ =	shalt  }
0x47: {  	_ =	shalt  }
0x48: {  	_ =	shalt  }
0x49: {  	_ =	shalt  }
0x4a: {  	_ =	shalt  }
0x4b: {  	_ =	shalt  }
0x4c: {  	_ =	shalt  }
0x4d: {  	_ =	shalt  }
0x4e: {  	_ =	shalt  }
0x4f: {  	_ =	shalt  }
0x50: {  	_ =	shalt  }
0x51: {  	_ =	shalt  }
0x52: {  	_ =	shalt  }
0x53: {  	_ =	shalt  }
0x54: {  	_ =	shalt  }
0x55: {  	_ =	shalt  }
0x56: {  	_ =	shalt  }
0x57: {  	_ =	shalt  }
0x58: {  	_ =	shalt  }
0x59: {  	_ =	shalt  }
0x5a: {  	_ =	shalt  }
0x5b: {  	_ =	shalt  }
0x5c: {  	_ =	shalt  }
0x5d: {  	_ =	shalt  }
0x5e: {  	_ =	shalt  }
0x5f: {  	_ =	shalt  }
0x60: {  	_ =	shalt  }
0x61: {  	_ =	shalt  }
0x62: {  	_ =	shalt  }
0x63: {  	_ =	shalt  }
0x64: {  	_ =	shalt  }
0x65: {  	_ =	shalt  }
0x66: {  	_ =	shalt  }
0x67: {  	_ =	shalt  }
0x68: {  	_ =	shalt  }
0x69: {  	_ =	shalt  }
0x6a: {  	_ =	shalt  }
0x6b: {  	_ =	shalt  }
0x6c: {  	_ =	shalt  }
0x6d: {  	_ =	shalt  }
0x6e: {  	_ =	shalt  }
0x6f: {  	_ =	shalt  }
0x70: {  	_ =	shalt  }
0x71: {  	_ =	shalt  }
0x72: {  	_ =	shalt  }
0x73: {  	_ =	shalt  }
0x74: {  	_ =	shalt  }
0x75: {  	_ =	shalt  }
0x76: {  	_ =	shalt  }
0x77: {  	_ =	shalt  }
0x78: {  	_ =	shalt  }
0x79: {  	_ =	shalt  }
0x7a: {  	_ =	shalt  }
0x7b: {  	_ =	shalt  }
0x7c: {  	_ =	shalt  }
0x7d: {  	_ =	shalt  }
0x7e: {  	_ =	shalt  }
0x7f: {  	_ =	shalt  }
0x80: {  	_ =	shalt  }
0x81: {  	_ =	shalt  }
0x82: {  	_ =	shalt  }
0x83: {  	_ =	shalt  }
0x84: {  	_ =	shalt  }
0x85: {  	_ =	shalt  }
0x86: {  	_ =	shalt  }
0x87: {  	_ =	shalt  }
.Lfunc_end0:
.L_simem_size_0:
called_computation_lowered:
.L_overlay_start_0:
0x88: {  	s2 =	sld [smem:$0x3FD9]  }
0x89: {  	s3 =	sld [smem:$0x3FFE];
	_ =	sdelay $0x1  }
0x8a: {  	s1 =	srdreg.scid  }
0x8b: {  	s0 =	sand.u32 $0x1, s1  }
0x8c: {  	s16 =	sshll.u32 s0, $0xA;
	s2 =	sadd.s32 s3, s2  }
0x8d: {  	s2 =	sadd.s32 s2, s16  }
0x8e: {  	[smem:$0x3FC2] =	sst s2  }
0x8f: {  	_ = 	snop  }
0x90: {  	(tm) =	ssettm $0x1  }
0x91: {  	s17 =	sld [smem:$0x3FFB];
	_ =	sdelay $0x3  }
0x92: {  	_ =	strace s17  }
0x93: {  	s2 =	sld [smem:$0x3FFC];
	_ =	sdelay $0x3  }
0x94: {  	_ =	strace s2  }
0x95: {  	s2 =	sld [smem:$0x3FFD];
	_ =	sdelay $0x3  }
0x96: {  	_ =	strace s2  }
0x97: {  	_ =	strace $0x8FFFFFFF  }
0x98: {  	s18 =	sld [smem:$0x3FDB];
	_ =	sdelay $0x1  }
0x99: {  	s19 =	simm.s32 $_scs_section_size  }
0x9a: {  	s4 =	simm.s32 $_size__tile_overlayer_lowered;
	s5 =	simm.s32 $_tile_overlayer_lowered  }
0x9b: {  	s22 =	simm.s32 $0x1BFF;
	s21 =	sshll.u32 s5, $0x1;
	s2 =	sadd.s32 s19, s18  }
0x9c: {  	s6 =	simm.s32 $0x0;
	s20 =	sshll.u32 s4, $0x1;
	s4 =	sadd.s32 s21, s2  }
0x9d: {  	[timem:s6], [sflag:s22] =	dma.local [hbm:s4], s20  }
0x9e: {  	_ =	swait.ge [sflag:s22], s20  }
0x9f: {  	s3 =	ssub.s32 $0x0, s20;
	[sflag:s22] =	ssyncset.done $0x0  }
0xa0: {  	[sflag:s22] =	ssyncadd.s32 s3;
	_ =	sdelay $0x1  }
0xa1: {  	s23 =	simm.s32 $0x1B8B  }
0xa2: {  	_ =	swait.ge [sflag:s23], $0x1  }
0xa3: {  	[sflag:s23] =	ssyncset.done $0x0  }
0xa4: {  	s25 =	simm.s32 $0x1B8E;
	s24 =	sld [smem:$0x3FFE];
	[sflag:s23] =	ssyncadd.s32 $0xFFFFFFFF  }
0xa5: {  	s26 =	simm.s32 $execute0_lowered;
	[smem:$0x3FD2] =	sst s25  }
0xa6: {  	s4 =	sshll.u32 s26, $0x1;
	_ =	strace $0x80000046;
	[dreg:$0x1] =	wrdreg $0xFFFFFFFF  }
0xa7: {  	s28 =	simm.s32 $_size_execute0_lowered;
	s2 =	sadd.s32 s2, s4;
	[dreg:$0x0] =	wrdreg $0x0  }
0xa8: {  	s4 =	sshll.u32 s28, $0x1;
	[dreg:$0x2] =	wrdreg s2  }
0xa9: {  	[dreg:$0x3] =	wrdreg s4  }
0xaa: {  	[dreg:$0x4] =	wrdreg $0xC0  }
0xab: {  	_ =	task [dreg:s6], $0x5FFFF  }
0xac: {  	[dreg:$0x1] =	wrdreg $0xFFFFFFFF  }
0xad: {  	[dreg:$0x0] =	wrdreg $0x60  }
0xae: {  	[dreg:$0x2] =	wrdreg s24  }
0xaf: {  	[dreg:$0x3] =	wrdreg $0x9  }
0xb0: {  	_ =	task.clear_ibuf [dreg:s6], $0x4FFFF;
	_ =	strace $0x90000046  }
0xb1: {  	s29 =	simm.s32 $0x9;
	_ =	strace $0x80000048  }
0xb2: {  	_ =	swait.ge [sflag:s29], $0x1  }
0xb3: {  	[sflag:s29] =	ssyncadd.s32 $0xFFFFFFFF  }
0xb4: {  	_ =	strace $0x90000048  }
0xb5: {  	_ =	sfence  }
0xb6: {  	s30 =	sld [smem:$0x0];
	_ =	sdelay $0x2  }
0xb7: {  	s31 =	sshll.u32 s1, $0xD;
	s1 =	sshrl.u32 s1, $0x2  }
0xb8: {  	s3 =	sand.u32 $0x4000, s31;
	s1 =	sadd.s32 s1, s30  }
0xb9: {  	s0 =	sor.u32 s3, s0;
	s1 =	sshll.u32 s1, $0x11  }
0xba: {  	s0 =	sor.u32 s1, s0  }
0xbb: {  	s0 =	sadd.s32 $0x8F2B, s0  }
0xbc: {  	[sflag:s0] =	ssyncadd.remote.s32 $0x1  }
0xbd: {  	_ =	sfence.sel $0xFFFF  }
0xbe: {  	[dreg:$0x0] =	wrdreg $0xFFFFFFFF;
	(pc) =	sbr.abs _section_cstart, $3  }
0xbf: {  	[dreg:$0x1] =	wrdreg $0xFFFFFFFF  }
0xc0: {  	_ =	task.clear_ibuf [dreg:s6], $0x2FFFF;
	_ =	strace $0x9FFFFFFF  }
0xc1: {  	(tm) =	ssettm $0x7FFFFFFF  }
tec
execute0_lowered:
.L_overlay_start_1:
0x0: {  	(tag) =	ssettag $0x1  }
0x1: {  	s0 =	srdreg.scid  }
0x2: {  	s4 =	rddreg [dreg:$0x0];
	s1 =	stileid.u32;
	s3 =	sand.u32 $0x1, s0  }
0x3: {  	s2 =	simm.s32 $0x0;
	s8 =	simm.s32 $0x2800;
	s5 =	sshll.u32 s3, $0x4  }
0x4: {  	s9 =	simm.s32 $0x0;
	s0 =	rddreg [dreg:$0x1];
	s5 =	sor.u32 s1, s5  }
0x5: {  	[smem:$0x7FF] =	sst s2;
	s6 =	ssub.s32 $0x2, s3;
	s5 =	smul.u32 $0x500, s5  }
0x6: {  	_ =	strace $0x80000047;
	s3 =	sadd.s32 $0x15A00, s4;
	s7 =	sshrl.u32 s6, $0x1  }
0x7: {  	s6 =	ssub.s32 s6, s7;
	s7 =	simm.s32 $0x1;
	s5 =	sadd.s32 s5, s4  }
0x8: {  	v0 =	vimm.f32 $1.000000000e+00;
	s6 =	smax.u32 s6, $0x1;
	s4 =	sadd.s32 $0x1A00, s5;
	s5 =	sadd.s32 $0x16000, s5  }
.LBB2_1:
0x9: {  	[tilespmem:s2], [sflag:$0x1] =	stream.linear.gather [hbm4b:s4+s2], $0x2800, $0x38;
	[tilespmem:$0x5000] =	vst v63  }
0xa: {  	_ =	swait.ge [sflag:s7], $0x2800  }
0xb: {  	[sflag:s7] =	ssyncset.done $0x0  }
0xc: {  	[sflag:s7] =	ssyncadd.s32 $0xFFFFD800  }
0xd: {  	[tilespmem:s8], [sflag:$0x1] =	stream.linear.gather [hbm4b:s3+s2], $0x2800, $0x38;
	[tilespmem:$0x5000] =	vst v63  }
0xe: {  	_ =	swait.ge [sflag:s7], $0x2800  }
0xf: {  	[sflag:s7] =	ssyncset.done $0x0  }
0x10: {  	s10 =	simm.s32 $0x1C0;
	[sflag:s7] =	ssyncadd.s32 $0xFFFFD800  }
.LBB2_2:
0x11: {  	s11 =	sshra.s32 s10, $0x2  }
0x12: {  	v1 =	vld [tilespmem:s11+$0xFFFFFF90];
	_ =	sdelay $0x7  }
0x13: {  	[tilespmem:v1+s8+$0x0] =	vst.idx.add.f32.msk $0xffff, v0  }
0x14: {  	v1 =	vld [tilespmem:s11+$0xFFFFFFA0];
	_ =	sdelay $0x7  }
0x15: {  	[tilespmem:v1+s8+$0x0] =	vst.idx.add.f32.msk $0xffff, v0  }
0x16: {  	v1 =	vld [tilespmem:s11+$0xFFFFFFB0];
	_ =	sdelay $0x7  }
0x17: {  	[tilespmem:v1+s8+$0x0] =	vst.idx.add.f32.msk $0xffff, v0  }
0x18: {  	v1 =	vld [tilespmem:s11+$0xFFFFFFC0];
	_ =	sdelay $0x7  }
0x19: {  	[tilespmem:v1+s8+$0x0] =	vst.idx.add.f32.msk $0xffff, v0  }
0x1a: {  	v1 =	vld [tilespmem:s11+$0xFFFFFFD0];
	_ =	sdelay $0x7  }
0x1b: {  	[tilespmem:v1+s8+$0x0] =	vst.idx.add.f32.msk $0xffff, v0  }
0x1c: {  	v1 =	vld [tilespmem:s11+$0xFFFFFFE0];
	_ =	sdelay $0x7  }
0x1d: {  	[tilespmem:v1+s8+$0x0] =	vst.idx.add.f32.msk $0xffff, v0  }
0x1e: {  	v1 =	vld [tilespmem:s11+$0xFFFFFFF0];
	_ =	sdelay $0x7  }
0x1f: {  	[tilespmem:v1+s8+$0x0] =	vst.idx.add.f32.msk $0xffff, v0  }
0x20: {  	v1 =	vld [tilespmem:s11+$0x0];
	_ =	sdelay $0x2  }
0x21: {  	p0 =	sne.s32 s10, $0x9FC0  }
.Ltmp0:
0x22: {  	_ = 	snop;
	(pc) =	sbr.rel @p0 .LBB2_2-.Ltmp0, $2  }
0x23: {  	_ =	sdelay $0x2  }
0x24: {  	s10 =	sadd.s32 $0x200, s10;
	[tilespmem:v1+s8+$0x0] =	vst.idx.add.f32.msk $0xffff, v0  }
0x25: {  	s9 =	sadd.s32 $0x1, s9  }
0x26: {  	p0 =	sne.s32 s9, s6  }
.Ltmp1:
0x27: {  	_ = 	snop;
	(pc) =	sbr.rel @p0 .LBB2_1-.Ltmp1, $4  }
0x28: {  	[hbm4b:s5+s2] =	stream.linear.scatter [tilespmem:s8], [sflag:$0x1], $0x2800, $0x38;
	[tilespmem:$0x5000] =	vst v63  }
0x29: {  	_ =	swait.ge [sflag:s7], $0x2800  }
0x2a: {  	[sflag:s7] =	ssyncset.done $0x0  }
0x2b: {  	[sflag:s7] =	ssyncadd.s32 $0xFFFFD800  }
0x2c: {  	_ =	sfence.sel $0x180000  }
0x2d: {  	[bflag:$0x0] =	sbarrier.arrive $0xFFFF  }
0x2e: {  	p0 =	sne.s32 s1, $0x0;
	_ =	strace $0x90000047  }
0x2f: {  	s0 =	sadd.s32 @!p0 $0x100000, s0;
	[bflag:$0x2] =	sbarrier.arrive $0xFFFF  }
0x30: {  	[sflag:s0] =	ssyncadd.tile.s32 @!p0 $0x1;
	_ =	shalt  }
.Lfunc_end2:
_tile_overlayer_lowered:
.L_overlay_start_2:
0x31: {  	(tag) =	ssettag $0x2  }
0x32: {  	s0 =	rddreg [dreg:$0x0];
	s2 =	stileid.u32  }
0x33: {  	s1 =	rddreg [dreg:$0x1];
	p0 =	sne.s32 s2, $0x0  }
0x34: {  	s3 =	rddreg [dreg:$0x2];
	[bflag:$0x3] =	sbarrier.arrive $0xFFFF;
	s2 =	simm.s32 @!p0 $0x1C01  }
0x35: {  	[timem:s3], [sflag:s2] =	dma.local @!p0 [hbm:s0], s1  }
0x36: {  	s0 =	simm.s32 @!p0 $0x1  }
0x37: {  	_ =	swait.ge @!p0 [sflag:s0], s1  }
0x38: {  	s1 =	ssub.s32 @!p0 $0x0, s1;
	[sflag:s0] =	ssyncset.done @!p0 $0x0  }
0x39: {  	[sflag:s0] =	ssyncadd.s32 @!p0 s1  }
0x3a: {  	[bflag:$0x3] =	sbarrier.arrive $0xFFFF  }
0x3b: {  	_ =	shalt  }

</sc_bundles>
